<compile_context>
chip_gen: v7x
topology: tpu7x:2x2x1
jax: 0.10.2.dev20260603
libtpu: 0.0.44.dev20260713+nightly
codegen_flags: <defaults>
</compile_context>

<pallas_src>
import functools

import jax
import jax.numpy as jnp
from jax import lax
from jax.experimental import pallas as pl
from jax.experimental.pallas import tpu as pltpu
from jax.experimental.pallas import tpu_sc as plsc

IMAGE_SIZE = 128
NEAR = 0.1
FAR = 100.0
INV_FAR = 1.0 / FAR
INV_NEAR = 1.0 / NEAR

NC, NS = 2, 16
NW = NC * NS
F = 1024
FPW = F // NS
NPIX = IMAGE_SIZE * IMAGE_SIZE
SLICE = NPIX // NS


def _sc_raster(faces_hbm, out_hbm, fbuf, dbuf, xpbuf, mbuf, obuf, shared):
    c = lax.axis_index("c")
    s = lax.axis_index("s")
    wid = c * NS + s

    pltpu.sync_copy(faces_hbm.at[pl.ds(wid * (FPW * 9), FPW * 9 + 8)], fbuf)

    lane = lax.iota(jnp.int32, 16)
    for cc in range(IMAGE_SIZE // 16):
        xi = (lane + cc * 16).astype(jnp.float32)
        xpbuf[pl.ds(cc * 16, 16)] = (2.0 * xi + 1.0 - IMAGE_SIZE) * (1.0 / IMAGE_SIZE)

    bg = jnp.full((16,), INV_FAR, dtype=jnp.float32)

    def clear_body(i, _):
        for u in range(8):
            dbuf[pl.ds(i * 128 + u * 16, 16)] = bg
        return 0

    lax.fori_loop(0, NPIX // 128, clear_body, 0)

    def face_body(f, _):
        v = fbuf[pl.ds(f * 9, 16)]
        x0 = v[0]; y0 = v[1]; z0 = v[2]
        x1 = v[3]; y1 = v[4]; z1 = v[5]
        x2 = v[6]; y2 = v[7]; z2 = v[8]

        half = IMAGE_SIZE // 2
        xmn = jnp.minimum(jnp.minimum(x0, x1), x2)
        xmx = jnp.maximum(jnp.maximum(x0, x1), x2)
        ymn = jnp.minimum(jnp.minimum(y0, y1), y2)
        ymx = jnp.maximum(jnp.maximum(y0, y1), y2)
        i_lo = jnp.clip((xmn + 1.0) * half - 0.5, 0.0, 127.0).astype(jnp.int32)
        i_hi = jnp.clip((xmx + 1.0) * half - 0.5, -2.0, 127.0).astype(jnp.int32) + 1
        i_hi = jnp.minimum(i_hi, 127)
        j_lo = jnp.clip((ymn + 1.0) * half - 0.5, 0.0, 127.0).astype(jnp.int32)
        j_hi = jnp.clip((ymx + 1.0) * half - 0.5, -2.0, 127.0).astype(jnp.int32) + 1
        j_hi = jnp.minimum(j_hi, 127)
        nchunks = ((i_hi - i_lo) >> 4) + 1

        x0v = jnp.full((16,), x0, jnp.float32)
        y0v = jnp.full((16,), y0, jnp.float32)
        x1v = jnp.full((16,), x1, jnp.float32)
        y1v = jnp.full((16,), y1, jnp.float32)
        x2v = jnp.full((16,), x2, jnp.float32)
        y2v = jnp.full((16,), y2, jnp.float32)
        r0v = 1.0 / jnp.full((16,), z0, jnp.float32)
        r1v = 1.0 / jnp.full((16,), z1, jnp.float32)
        r2v = 1.0 / jnp.full((16,), z2, jnp.float32)

        def eval_row(dy0, dy1, dy2, dx0, dx1, dx2):
            w0 = dx1 * dy2 - dy1 * dx2
            w1 = dx2 * dy0 - dy2 * dx0
            w2 = dx0 * dy1 - dy0 * dx1
            wsum = w0 + w1 + w2
            inside = ((w0 * w1) > 0) & ((w0 * w2) > 0)
            wsum_safe = jnp.where(jnp.abs(wsum) < 1e-12, 1.0, wsum)
            inv_z = (w0 * r0v + w1 * r1v + w2 * r2v) / wsum_safe
            valid = inside & (inv_z < INV_NEAR)
            return jnp.where(valid, inv_z, INV_FAR)

        def rowpair_body(jj, _):
            j = j_lo + 2 * jj
            j2 = jnp.minimum(j + 1, 127)
            ypa = (2.0 * j.astype(jnp.float32) + 1.0 - IMAGE_SIZE) * (1.0 / IMAGE_SIZE)
            ypb = (2.0 * j2.astype(jnp.float32) + 1.0 - IMAGE_SIZE) * (1.0 / IMAGE_SIZE)
            dy0a = y0v - ypa; dy1a = y1v - ypa; dy2a = y2v - ypa
            dy0b = y0v - ypb; dy1b = y1v - ypb; dy2b = y2v - ypb
            rowa = j * IMAGE_SIZE
            rowb = j2 * IMAGE_SIZE

            def chunk_body(cc, _):
                xb = jnp.minimum(i_lo + cc * 16, IMAGE_SIZE - 16)
                xp = xpbuf[pl.ds(xb, 16)]
                dx0 = x0v - xp
                dx1 = x1v - xp
                dx2 = x2v - xp
                qa = eval_row(dy0a, dy1a, dy2a, dx0, dx1, dx2)
                qb = eval_row(dy0b, dy1b, dy2b, dx0, dx1, dx2)
                cura = dbuf[pl.ds(rowa + xb, 16)]
                dbuf[pl.ds(rowa + xb, 16)] = jnp.maximum(cura, qa)
                curb = dbuf[pl.ds(rowb + xb, 16)]
                dbuf[pl.ds(rowb + xb, 16)] = jnp.maximum(curb, qb)
                return 0

            lax.fori_loop(0, nchunks, chunk_body, 0)
            return 0

        npairs = (j_hi - j_lo + 2) >> 1
        lax.fori_loop(0, npairs, rowpair_body, 0)
        return 0

    lax.fori_loop(0, FPW, face_body, 0)

    pltpu.sync_copy(dbuf, shared.at[s])
    plsc.subcore_barrier()
    pltpu.sync_copy(shared.at[:, pl.ds(s * SLICE, SLICE)], mbuf)

    def merge_body(i, _):
        q = mbuf[0, pl.ds(i * 16, 16)]
        for k in range(1, NS):
            q = jnp.maximum(q, mbuf[k, pl.ds(i * 16, 16)])
        obuf[pl.ds(i * 16, 16)] = 1.0 / q
        return 0

    lax.fori_loop(0, SLICE // 16, merge_body, 0)

    pltpu.sync_copy(obuf, out_hbm.at[c, pl.ds(s * SLICE, SLICE)])


def _sc_rasterize(comp):
    mesh = plsc.VectorSubcoreMesh(
        core_axis_name="c", subcore_axis_name="s", num_cores=NC, num_subcores=NS
    )
    run = functools.partial(
        pl.kernel,
        out_type=jax.ShapeDtypeStruct((2, NPIX), jnp.float32),
        mesh=mesh,
        scratch_types=[
            pltpu.VMEM((FPW * 9 + 8,), jnp.float32),
            pltpu.VMEM((NPIX,), jnp.float32),
            pltpu.VMEM((IMAGE_SIZE,), jnp.float32),
            pltpu.VMEM((NS, SLICE), jnp.float32),
            pltpu.VMEM((SLICE,), jnp.float32),
            pltpu.VMEM_SHARED((NS, NPIX), jnp.float32),
        ],
    )(_sc_raster)
    return run(comp)


def kernel(input):
    faces = input
    comp = jnp.pad(faces.reshape(NW * FPW * 9), (0, 8))
    return _sc_rasterize(comp).reshape(2, IMAGE_SIZE, IMAGE_SIZE)

# --- scband reference (transcript-rebuilt; emitter-appended) ---
"""Pipeline reference for scband-rasterize-4037269259130 (READ-ONLY COPY).

The authoritative reference and input builder live on the scoring server;
editing this copy changes nothing except your own understanding.
"""

import jax, jax.numpy as jnp
import numpy as np

IMAGE_SIZE = 128
NEAR = 0.1
FAR = 100.0
EPS = 1e-3


def setup_inputs(seed: int = 0) -> dict:
    key = jax.random.key(seed)
    k1, k2, k3, k4 = jax.random.split(key, 4)
    B, F = 2, 1024
    # triangle centers in screen space [-1, 1]^2, small vertex offsets (mesh-like triangles)
    centers_xy = jax.random.uniform(k1, (B, F, 1, 2), minval=-1.0, maxval=1.0)
    offsets_xy = jax.random.normal(k2, (B, F, 3, 2)) * 0.08
    xy = centers_xy + offsets_xy
    z_center = jax.random.uniform(k3, (B, F, 1, 1), minval=1.0, maxval=20.0)
    z = z_center + jax.random.normal(k4, (B, F, 3, 1)) * 0.05
    faces = jnp.concatenate([xy, z], axis=-1).astype(jnp.float32)  # [B, F, 3, 3]
    return {"input": faces}


def _rasterize_depth(faces):
    # faces: [B, F, 3, 3] vertices (x, y, z) in screen space; z is view depth.
    is_ = IMAGE_SIZE
    coords = (2.0 * jnp.arange(is_, dtype=jnp.float32) + 1.0 - is_) / is_  # pixel centers in [-1,1]
    xs = coords

    def per_batch(faces_b):
        x0 = faces_b[:, 0, 0]; y0 = faces_b[:, 0, 1]; z0 = faces_b[:, 0, 2]
        x1 = faces_b[:, 1, 0]; y1 = faces_b[:, 1, 1]; z1 = faces_b[:, 1, 2]
        x2 = faces_b[:, 2, 0]; y2 = faces_b[:, 2, 1]; z2 = faces_b[:, 2, 2]

        def row_fn(yp):
            xp = xs[:, None]  # [IS, 1] broadcast against faces [1, F]
            # cross-product (barycentric, unnormalized) weights as in rasterize_cuda_kernel
            w0 = (x1[None, :] - xp) * (y2[None, :] - yp) - (y1[None, :] - yp) * (x2[None, :] - xp)
            w1 = (x2[None, :] - xp) * (y0[None, :] - yp) - (y2[None, :] - yp) * (x0[None, :] - xp)
            w2 = (x0[None, :] - xp) * (y1[None, :] - yp) - (y0[None, :] - yp) * (x1[None, :] - xp)
            wsum = w0 + w1 + w2
            inside = ((w0 > 0) & (w1 > 0) & (w2 > 0)) | ((w0 < 0) & (w1 < 0) & (w2 < 0))
            wsum_safe = jnp.where(jnp.abs(wsum) < 1e-12, 1.0, wsum)
            wn0 = w0 / wsum_safe
            wn1 = w1 / wsum_safe
            wn2 = w2 / wsum_safe
            # perspective-correct depth interpolation: zp = 1 / (w0/z0 + w1/z1 + w2/z2)
            inv_z = wn0 / z0[None, :] + wn1 / z1[None, :] + wn2 / z2[None, :]
            inv_z_safe = jnp.where(jnp.abs(inv_z) < 1e-12, 1.0 / FAR, inv_z)
            zp = 1.0 / inv_z_safe
            valid = inside & (zp > NEAR) & (zp < FAR)
            zp_m = jnp.where(valid, zp, FAR)
            # depth test: nearest face wins (atomic-min equivalent); background = far
            return jnp.min(zp_m, axis=1)  # [IS]

        return jax.lax.map(row_fn, coords)  # [IS, IS]

    return jax.vmap(per_batch)(faces)  # [B, IS, IS]


def reference(input):
    # Rasterize.forward(input) with return_rgb=False, return_alpha=False, return_depth=True
    # torch returns (None, None, depth_map); we return the depth map.
    faces = input
    depth_map = _rasterize_depth(faces)
    return depth_map

if __name__ == "__main__":
    import jax
    _d = setup_inputs()
    print(jax.jit(kernel)(*tuple(_d.values())))

</pallas_src>

<mosaic_0001>
#map = affine_map<(d0, d1) -> (0)>
#map1 = affine_map<(d0, d1) -> (0, 0)>
module attributes {stable_mosaic.version = 14 : i64} {
  func.func @_sc_raster(%arg0: i32, %arg1: i32, %arg2: memref<18440xf32, #tpu.memory_space<hbm>>, %arg3: memref<2x16384xf32, #tpu.memory_space<hbm>>, %arg4: memref<584xf32, #tpu.memory_space<vmem>>, %arg5: memref<16384xf32, #tpu.memory_space<vmem>>, %arg6: memref<128xf32, #tpu.memory_space<vmem>>, %arg7: memref<16x1024xf32, #tpu.memory_space<vmem>>, %arg8: memref<1024xf32, #tpu.memory_space<vmem>>, %arg9: memref<16x16384xf32, #tpu.memory_space<vmem_shared>>) attributes {dimension_semantics = [#tpu.dimension_semantics<core_parallel>, #tpu.dimension_semantics<subcore_parallel>], iteration_bounds = array<i64: 2, 16>, scalar_prefetch = 0 : i64, scratch_operands = 6 : i64, tpu.core_type = #tpu.core_type<sc_vector_subcore>, window_params = [{transform_indices = #map}, {transform_indices = #map1}]} {
    %mul3A = arith.constant 16 : i32
    %mul3A_0 = arith.muli %arg0, %mul3A : i32
    %add3A = arith.addi %mul3A_0, %arg1 : i32
    %mul3A_1 = arith.constant 576 : i32
    %mul3A_2 = arith.muli %add3A, %mul3A_1 : i32
    "tpu.region"() ({
      %run_scoped3A = tpu.sem_alloc : memref<!tpu.dma_semaphore, #tpu.memory_space<semaphore_mem>>
      %dma_start3A = tpu.memref_slice %arg2[%mul3A_2] : memref<18440xf32, #tpu.memory_space<hbm>> -> memref<584xf32, #tpu.memory_space<hbm>>
      %dma_start3A_185 = tpu.memref_slice %arg2[%mul3A_2] : memref<18440xf32, #tpu.memory_space<hbm>> -> memref<584xf32, #tpu.memory_space<hbm>>
      tpu.enqueue_dma source(%dma_start3A_185 : memref<584xf32, #tpu.memory_space<hbm>>) target(%arg4 : memref<584xf32, #tpu.memory_space<vmem>>) target_semaphore(%run_scoped3A : memref<!tpu.dma_semaphore, #tpu.memory_space<semaphore_mem>>)
      %dma_wait3A = tpu.memref_slice %arg2[%mul3A_2] : memref<18440xf32, #tpu.memory_space<hbm>> -> memref<584xf32, #tpu.memory_space<hbm>>
      %dma_wait3A_186 = tpu.memref_slice %arg2[%mul3A_2] : memref<18440xf32, #tpu.memory_space<hbm>> -> memref<584xf32, #tpu.memory_space<hbm>>
      tpu.wait_dma2 semaphore(%run_scoped3A : memref<!tpu.dma_semaphore, #tpu.memory_space<semaphore_mem>>) src(%dma_wait3A_186 : memref<584xf32, #tpu.memory_space<hbm>>) dst(%arg4 : memref<584xf32, #tpu.memory_space<vmem>>)
      tpu.yield
    }) : () -> ()
    %iota3A = tpu.iota {dimensions = array<i32: 0>} : vector<16xi32>
    %add3A_3 = arith.constant 0 : i32
    %add3A_4 = vector.broadcast %add3A_3 : i32 to vector<16xi32>
    %add3A_5 = arith.addi %iota3A, %add3A_4 : vector<16xi32>
    %convert_element_type3A = arith.sitofp %add3A_5 : vector<16xi32> to vector<16xf32>
    %mul3A_6 = arith.constant 2.000000e+00 : f32
    %mul3A_7 = vector.broadcast %mul3A_6 : f32 to vector<16xf32>
    %mul3A_8 = arith.mulf %mul3A_7, %convert_element_type3A : vector<16xf32>
    %add3A_9 = arith.constant 1.000000e+00 : f32
    %add3A_10 = vector.broadcast %add3A_9 : f32 to vector<16xf32>
    %add3A_11 = arith.addf %mul3A_8, %add3A_10 : vector<16xf32>
    %sub3A = arith.constant 1.280000e+02 : f32
    %sub3A_12 = vector.broadcast %sub3A : f32 to vector<16xf32>
    %sub3A_13 = arith.subf %add3A_11, %sub3A_12 : vector<16xf32>
    %mul3A_14 = arith.constant 7.812500e-03 : f32
    %mul3A_15 = vector.broadcast %mul3A_14 : f32 to vector<16xf32>
    %mul3A_16 = arith.mulf %sub3A_13, %mul3A_15 : vector<16xf32>
    %swap3A = arith.constant 0 : index
    %swap3A_17 = tpu.vector_load %arg6[%swap3A] {strides = array<i32>} : memref<128xf32, #tpu.memory_space<vmem>>, vector<16xf32>,
    %swap3A_18 = vector.shape_cast %swap3A_17 : vector<16xf32> to vector<16xf32>
    %swap3A_19 = vector.shape_cast %mul3A_16 : vector<16xf32> to vector<16xf32>
    tpu.vector_store %arg6[%swap3A], %swap3A_19 {strides = array<i32>} : memref<128xf32, #tpu.memory_space<vmem>>, vector<16xf32>,
    %add3A_20 = arith.constant 16 : i32
    %add3A_21 = vector.broadcast %add3A_20 : i32 to vector<16xi32>
    %add3A_22 = arith.addi %iota3A, %add3A_21 : vector<16xi32>
    %convert_element_type3A_23 = arith.sitofp %add3A_22 : vector<16xi32> to vector<16xf32>
    %mul3A_24 = arith.constant 2.000000e+00 : f32
    %mul3A_25 = vector.broadcast %mul3A_24 : f32 to vector<16xf32>
    %mul3A_26 = arith.mulf %mul3A_25, %convert_element_type3A_23 : vector<16xf32>
    %add3A_27 = arith.constant 1.000000e+00 : f32
    %add3A_28 = vector.broadcast %add3A_27 : f32 to vector<16xf32>
    %add3A_29 = arith.addf %mul3A_26, %add3A_28 : vector<16xf32>
    %sub3A_30 = arith.constant 1.280000e+02 : f32
    %sub3A_31 = vector.broadcast %sub3A_30 : f32 to vector<16xf32>
    %sub3A_32 = arith.subf %add3A_29, %sub3A_31 : vector<16xf32>
    %mul3A_33 = arith.constant 7.812500e-03 : f32
    %mul3A_34 = vector.broadcast %mul3A_33 : f32 to vector<16xf32>
    %mul3A_35 = arith.mulf %sub3A_32, %mul3A_34 : vector<16xf32>
    %swap3A_36 = arith.constant 16 : index
    %swap3A_37 = tpu.vector_load %arg6[%swap3A_36] {strides = array<i32>} : memref<128xf32, #tpu.memory_space<vmem>>, vector<16xf32>,
    %swap3A_38 = vector.shape_cast %swap3A_37 : vector<16xf32> to vector<16xf32>
    %swap3A_39 = vector.shape_cast %mul3A_35 : vector<16xf32> to vector<16xf32>
    tpu.vector_store %arg6[%swap3A_36], %swap3A_39 {strides = array<i32>} : memref<128xf32, #tpu.memory_space<vmem>>, vector<16xf32>,
    %add3A_40 = arith.constant 32 : i32
    %add3A_41 = vector.broadcast %add3A_40 : i32 to vector<16xi32>
    %add3A_42 = arith.addi %iota3A, %add3A_41 : vector<16xi32>
    %convert_element_type3A_43 = arith.sitofp %add3A_42 : vector<16xi32> to vector<16xf32>
    %mul3A_44 = arith.constant 2.000000e+00 : f32
    %mul3A_45 = vector.broadcast %mul3A_44 : f32 to vector<16xf32>
    %mul3A_46 = arith.mulf %mul3A_45, %convert_element_type3A_43 : vector<16xf32>
    %add3A_47 = arith.constant 1.000000e+00 : f32
    %add3A_48 = vector.broadcast %add3A_47 : f32 to vector<16xf32>
    %add3A_49 = arith.addf %mul3A_46, %add3A_48 : vector<16xf32>
    %sub3A_50 = arith.constant 1.280000e+02 : f32
    %sub3A_51 = vector.broadcast %sub3A_50 : f32 to vector<16xf32>
    %sub3A_52 = arith.subf %add3A_49, %sub3A_51 : vector<16xf32>
    %mul3A_53 = arith.constant 7.812500e-03 : f32
    %mul3A_54 = vector.broadcast %mul3A_53 : f32 to vector<16xf32>
    %mul3A_55 = arith.mulf %sub3A_52, %mul3A_54 : vector<16xf32>
    %swap3A_56 = arith.constant 32 : index
    %swap3A_57 = tpu.vector_load %arg6[%swap3A_56] {strides = array<i32>} : memref<128xf32, #tpu.memory_space<vmem>>, vector<16xf32>,
    %swap3A_58 = vector.shape_cast %swap3A_57 : vector<16xf32> to vector<16xf32>
    %swap3A_59 = vector.shape_cast %mul3A_55 : vector<16xf32> to vector<16xf32>
    tpu.vector_store %arg6[%swap3A_56], %swap3A_59 {strides = array<i32>} : memref<128xf32, #tpu.memory_space<vmem>>, vector<16xf32>,
    %add3A_60 = arith.constant 48 : i32
    %add3A_61 = vector.broadcast %add3A_60 : i32 to vector<16xi32>
    %add3A_62 = arith.addi %iota3A, %add3A_61 : vector<16xi32>
    %convert_element_type3A_63 = arith.sitofp %add3A_62 : vector<16xi32> to vector<16xf32>
    %mul3A_64 = arith.constant 2.000000e+00 : f32
    %mul3A_65 = vector.broadcast %mul3A_64 : f32 to vector<16xf32>
    %mul3A_66 = arith.mulf %mul3A_65, %convert_element_type3A_63 : vector<16xf32>
    %add3A_67 = arith.constant 1.000000e+00 : f32
    %add3A_68 = vector.broadcast %add3A_67 : f32 to vector<16xf32>
    %add3A_69 = arith.addf %mul3A_66, %add3A_68 : vector<16xf32>
    %sub3A_70 = arith.constant 1.280000e+02 : f32
    %sub3A_71 = vector.broadcast %sub3A_70 : f32 to vector<16xf32>
    %sub3A_72 = arith.subf %add3A_69, %sub3A_71 : vector<16xf32>
    %mul3A_73 = arith.constant 7.812500e-03 : f32
    %mul3A_74 = vector.broadcast %mul3A_73 : f32 to vector<16xf32>
    %mul3A_75 = arith.mulf %sub3A_72, %mul3A_74 : vector<16xf32>
    %swap3A_76 = arith.constant 48 : index
    %swap3A_77 = tpu.vector_load %arg6[%swap3A_76] {strides = array<i32>} : memref<128xf32, #tpu.memory_space<vmem>>, vector<16xf32>,
    %swap3A_78 = vector.shape_cast %swap3A_77 : vector<16xf32> to vector<16xf32>
    %swap3A_79 = vector.shape_cast %mul3A_75 : vector<16xf32> to vector<16xf32>
    tpu.vector_store %arg6[%swap3A_76], %swap3A_79 {strides = array<i32>} : memref<128xf32, #tpu.memory_space<vmem>>, vector<16xf32>,
    %add3A_80 = arith.constant 64 : i32
    %add3A_81 = vector.broadcast %add3A_80 : i32 to vector<16xi32>
    %add3A_82 = arith.addi %iota3A, %add3A_81 : vector<16xi32>
    %convert_element_type3A_83 = arith.sitofp %add3A_82 : vector<16xi32> to vector<16xf32>
    %mul3A_84 = arith.constant 2.000000e+00 : f32
    %mul3A_85 = vector.broadcast %mul3A_84 : f32 to vector<16xf32>
    %mul3A_86 = arith.mulf %mul3A_85, %convert_element_type3A_83 : vector<16xf32>
    %add3A_87 = arith.constant 1.000000e+00 : f32
    %add3A_88 = vector.broadcast %add3A_87 : f32 to vector<16xf32>
    %add3A_89 = arith.addf %mul3A_86, %add3A_88 : vector<16xf32>
    %sub3A_90 = arith.constant 1.280000e+02 : f32
    %sub3A_91 = vector.broadcast %sub3A_90 : f32 to vector<16xf32>
    %sub3A_92 = arith.subf %add3A_89, %sub3A_91 : vector<16xf32>
    %mul3A_93 = arith.constant 7.812500e-03 : f32
    %mul3A_94 = vector.broadcast %mul3A_93 : f32 to vector<16xf32>
    %mul3A_95 = arith.mulf %sub3A_92, %mul3A_94 : vector<16xf32>
    %swap3A_96 = arith.constant 64 : index
    %swap3A_97 = tpu.vector_load %arg6[%swap3A_96] {strides = array<i32>} : memref<128xf32, #tpu.memory_space<vmem>>, vector<16xf32>,
    %swap3A_98 = vector.shape_cast %swap3A_97 : vector<16xf32> to vector<16xf32>
    %swap3A_99 = vector.shape_cast %mul3A_95 : vector<16xf32> to vector<16xf32>
    tpu.vector_store %arg6[%swap3A_96], %swap3A_99 {strides = array<i32>} : memref<128xf32, #tpu.memory_space<vmem>>, vector<16xf32>,
    %add3A_100 = arith.constant 80 : i32
    %add3A_101 = vector.broadcast %add3A_100 : i32 to vector<16xi32>
    %add3A_102 = arith.addi %iota3A, %add3A_101 : vector<16xi32>
    %convert_element_type3A_103 = arith.sitofp %add3A_102 : vector<16xi32> to vector<16xf32>
    %mul3A_104 = arith.constant 2.000000e+00 : f32
    %mul3A_105 = vector.broadcast %mul3A_104 : f32 to vector<16xf32>
    %mul3A_106 = arith.mulf %mul3A_105, %convert_element_type3A_103 : vector<16xf32>
    %add3A_107 = arith.constant 1.000000e+00 : f32
    %add3A_108 = vector.broadcast %add3A_107 : f32 to vector<16xf32>
    %add3A_109 = arith.addf %mul3A_106, %add3A_108 : vector<16xf32>
    %sub3A_110 = arith.constant 1.280000e+02 : f32
    %sub3A_111 = vector.broadcast %sub3A_110 : f32 to vector<16xf32>
    %sub3A_112 = arith.subf %add3A_109, %sub3A_111 : vector<16xf32>
    %mul3A_113 = arith.constant 7.812500e-03 : f32
    %mul3A_114 = vector.broadcast %mul3A_113 : f32 to vector<16xf32>
    %mul3A_115 = arith.mulf %sub3A_112, %mul3A_114 : vector<16xf32>
    %swap3A_116 = arith.constant 80 : index
    %swap3A_117 = tpu.vector_load %arg6[%swap3A_116] {strides = array<i32>} : memref<128xf32, #tpu.memory_space<vmem>>, vector<16xf32>,
    %swap3A_118 = vector.shape_cast %swap3A_117 : vector<16xf32> to vector<16xf32>
    %swap3A_119 = vector.shape_cast %mul3A_115 : vector<16xf32> to vector<16xf32>
    tpu.vector_store %arg6[%swap3A_116], %swap3A_119 {strides = array<i32>} : memref<128xf32, #tpu.memory_space<vmem>>, vector<16xf32>,
    %add3A_120 = arith.constant 96 : i32
    %add3A_121 = vector.broadcast %add3A_120 : i32 to vector<16xi32>
    %add3A_122 = arith.addi %iota3A, %add3A_121 : vector<16xi32>
    %convert_element_type3A_123 = arith.sitofp %add3A_122 : vector<16xi32> to vector<16xf32>
    %mul3A_124 = arith.constant 2.000000e+00 : f32
    %mul3A_125 = vector.broadcast %mul3A_124 : f32 to vector<16xf32>
    %mul3A_126 = arith.mulf %mul3A_125, %convert_element_type3A_123 : vector<16xf32>
    %add3A_127 = arith.constant 1.000000e+00 : f32
    %add3A_128 = vector.broadcast %add3A_127 : f32 to vector<16xf32>
    %add3A_129 = arith.addf %mul3A_126, %add3A_128 : vector<16xf32>
    %sub3A_130 = arith.constant 1.280000e+02 : f32
    %sub3A_131 = vector.broadcast %sub3A_130 : f32 to vector<16xf32>
    %sub3A_132 = arith.subf %add3A_129, %sub3A_131 : vector<16xf32>
    %mul3A_133 = arith.constant 7.812500e-03 : f32
    %mul3A_134 = vector.broadcast %mul3A_133 : f32 to vector<16xf32>
    %mul3A_135 = arith.mulf %sub3A_132, %mul3A_134 : vector<16xf32>
    %swap3A_136 = arith.constant 96 : index
    %swap3A_137 = tpu.vector_load %arg6[%swap3A_136] {strides = array<i32>} : memref<128xf32, #tpu.memory_space<vmem>>, vector<16xf32>,
    %swap3A_138 = vector.shape_cast %swap3A_137 : vector<16xf32> to vector<16xf32>
    %swap3A_139 = vector.shape_cast %mul3A_135 : vector<16xf32> to vector<16xf32>
    tpu.vector_store %arg6[%swap3A_136], %swap3A_139 {strides = array<i32>} : memref<128xf32, #tpu.memory_space<vmem>>, vector<16xf32>,
    %add3A_140 = arith.constant 112 : i32
    %add3A_141 = vector.broadcast %add3A_140 : i32 to vector<16xi32>
    %add3A_142 = arith.addi %iota3A, %add3A_141 : vector<16xi32>
    %convert_element_type3A_143 = arith.sitofp %add3A_142 : vector<16xi32> to vector<16xf32>
    %mul3A_144 = arith.constant 2.000000e+00 : f32
    %mul3A_145 = vector.broadcast %mul3A_144 : f32 to vector<16xf32>
    %mul3A_146 = arith.mulf %mul3A_145, %convert_element_type3A_143 : vector<16xf32>
    %add3A_147 = arith.constant 1.000000e+00 : f32
    %add3A_148 = vector.broadcast %add3A_147 : f32 to vector<16xf32>
    %add3A_149 = arith.addf %mul3A_146, %add3A_148 : vector<16xf32>
    %sub3A_150 = arith.constant 1.280000e+02 : f32
    %sub3A_151 = vector.broadcast %sub3A_150 : f32 to vector<16xf32>
    %sub3A_152 = arith.subf %add3A_149, %sub3A_151 : vector<16xf32>
    %mul3A_153 = arith.constant 7.812500e-03 : f32
    %mul3A_154 = vector.broadcast %mul3A_153 : f32 to vector<16xf32>
    %mul3A_155 = arith.mulf %sub3A_152, %mul3A_154 : vector<16xf32>
    %swap3A_156 = arith.constant 112 : index
    %swap3A_157 = tpu.vector_load %arg6[%swap3A_156] {strides = array<i32>} : memref<128xf32, #tpu.memory_space<vmem>>, vector<16xf32>,
    %swap3A_158 = vector.shape_cast %swap3A_157 : vector<16xf32> to vector<16xf32>
    %swap3A_159 = vector.shape_cast %mul3A_155 : vector<16xf32> to vector<16xf32>
    tpu.vector_store %arg6[%swap3A_156], %swap3A_159 {strides = array<i32>} : memref<128xf32, #tpu.memory_space<vmem>>, vector<16xf32>,
    %broadcast_in_dim3A = arith.constant 0.00999999977 : f32
    %broadcast_in_dim3A_160 = vector.broadcast %broadcast_in_dim3A : f32 to vector<16xf32>
    %scan3A = arith.constant 0 : i32
    %scan3A_161 = arith.constant 0 : i32
    %scan3A_162 = arith.constant 128 : i32
    %scan3A_163 = arith.addi %scan3A_161, %scan3A_162 : i32
    %scan3A_164 = arith.constant 1 : i32
    %scan3A_165 = scf.for %scan3A_185 = %scan3A_161 to %scan3A_163 step %scan3A_164 iter_args(%scan3A_186 = %scan3A) -> (i32)  : i32 {
      %mul3A_187 = arith.constant 128 : i32
      %mul3A_188 = arith.muli %scan3A_185, %mul3A_187 : i32
      %add3A_189 = arith.constant 0 : i32
      %add3A_190 = arith.addi %mul3A_188, %add3A_189 : i32
      %swap3A_191 = arith.index_cast %add3A_190 : i32 to index
      %swap3A_192 = tpu.vector_load %arg5[%swap3A_191] {strides = array<i32>} : memref<16384xf32, #tpu.memory_space<vmem>>, vector<16xf32>,
      %swap3A_193 = vector.shape_cast %swap3A_192 : vector<16xf32> to vector<16xf32>
      %swap3A_194 = vector.shape_cast %broadcast_in_dim3A_160 : vector<16xf32> to vector<16xf32>
      tpu.vector_store %arg5[%swap3A_191], %swap3A_194 {strides = array<i32>} : memref<16384xf32, #tpu.memory_space<vmem>>, vector<16xf32>,
      %mul3A_195 = arith.constant 128 : i32
      %mul3A_196 = arith.muli %scan3A_185, %mul3A_195 : i32
      %add3A_197 = arith.constant 16 : i32
      %add3A_198 = arith.addi %mul3A_196, %add3A_197 : i32
      %swap3A_199 = arith.index_cast %add3A_198 : i32 to index
      %swap3A_200 = tpu.vector_load %arg5[%swap3A_199] {strides = array<i32>} : memref<16384xf32, #tpu.memory_space<vmem>>, vector<16xf32>,
      %swap3A_201 = vector.shape_cast %swap3A_200 : vector<16xf32> to vector<16xf32>
      %swap3A_202 = vector.shape_cast %broadcast_in_dim3A_160 : vector<16xf32> to vector<16xf32>
      tpu.vector_store %arg5[%swap3A_199], %swap3A_202 {strides = array<i32>} : memref<16384xf32, #tpu.memory_space<vmem>>, vector<16xf32>,
      %mul3A_203 = arith.constant 128 : i32
      %mul3A_204 = arith.muli %scan3A_185, %mul3A_203 : i32
      %add3A_205 = arith.constant 32 : i32
      %add3A_206 = arith.addi %mul3A_204, %add3A_205 : i32
      %swap3A_207 = arith.index_cast %add3A_206 : i32 to index
      %swap3A_208 = tpu.vector_load %arg5[%swap3A_207] {strides = array<i32>} : memref<16384xf32, #tpu.memory_space<vmem>>, vector<16xf32>,
      %swap3A_209 = vector.shape_cast %swap3A_208 : vector<16xf32> to vector<16xf32>
      %swap3A_210 = vector.shape_cast %broadcast_in_dim3A_160 : vector<16xf32> to vector<16xf32>
      tpu.vector_store %arg5[%swap3A_207], %swap3A_210 {strides = array<i32>} : memref<16384xf32, #tpu.memory_space<vmem>>, vector<16xf32>,
      %mul3A_211 = arith.constant 128 : i32
      %mul3A_212 = arith.muli %scan3A_185, %mul3A_211 : i32
      %add3A_213 = arith.constant 48 : i32
      %add3A_214 = arith.addi %mul3A_212, %add3A_213 : i32
      %swap3A_215 = arith.index_cast %add3A_214 : i32 to index
      %swap3A_216 = tpu.vector_load %arg5[%swap3A_215] {strides = array<i32>} : memref<16384xf32, #tpu.memory_space<vmem>>, vector<16xf32>,
      %swap3A_217 = vector.shape_cast %swap3A_216 : vector<16xf32> to vector<16xf32>
      %swap3A_218 = vector.shape_cast %broadcast_in_dim3A_160 : vector<16xf32> to vector<16xf32>
      tpu.vector_store %arg5[%swap3A_215], %swap3A_218 {strides = array<i32>} : memref<16384xf32, #tpu.memory_space<vmem>>, vector<16xf32>,
      %mul3A_219 = arith.constant 128 : i32
      %mul3A_220 = arith.muli %scan3A_185, %mul3A_219 : i32
      %add3A_221 = arith.constant 64 : i32
      %add3A_222 = arith.addi %mul3A_220, %add3A_221 : i32
      %swap3A_223 = arith.index_cast %add3A_222 : i32 to index
      %swap3A_224 = tpu.vector_load %arg5[%swap3A_223] {strides = array<i32>} : memref<16384xf32, #tpu.memory_space<vmem>>, vector<16xf32>,
      %swap3A_225 = vector.shape_cast %swap3A_224 : vector<16xf32> to vector<16xf32>
      %swap3A_226 = vector.shape_cast %broadcast_in_dim3A_160 : vector<16xf32> to vector<16xf32>
      tpu.vector_store %arg5[%swap3A_223], %swap3A_226 {strides = array<i32>} : memref<16384xf32, #tpu.memory_space<vmem>>, vector<16xf32>,
      %mul3A_227 = arith.constant 128 : i32
      %mul3A_228 = arith.muli %scan3A_185, %mul3A_227 : i32
      %add3A_229 = arith.constant 80 : i32
      %add3A_230 = arith.addi %mul3A_228, %add3A_229 : i32
      %swap3A_231 = arith.index_cast %add3A_230 : i32 to index
      %swap3A_232 = tpu.vector_load %arg5[%swap3A_231] {strides = array<i32>} : memref<16384xf32, #tpu.memory_space<vmem>>, vector<16xf32>,
      %swap3A_233 = vector.shape_cast %swap3A_232 : vector<16xf32> to vector<16xf32>
      %swap3A_234 = vector.shape_cast %broadcast_in_dim3A_160 : vector<16xf32> to vector<16xf32>
      tpu.vector_store %arg5[%swap3A_231], %swap3A_234 {strides = array<i32>} : memref<16384xf32, #tpu.memory_space<vmem>>, vector<16xf32>,
      %mul3A_235 = arith.constant 128 : i32
      %mul3A_236 = arith.muli %scan3A_185, %mul3A_235 : i32
      %add3A_237 = arith.constant 96 : i32
      %add3A_238 = arith.addi %mul3A_236, %add3A_237 : i32
      %swap3A_239 = arith.index_cast %add3A_238 : i32 to index
      %swap3A_240 = tpu.vector_load %arg5[%swap3A_239] {strides = array<i32>} : memref<16384xf32, #tpu.memory_space<vmem>>, vector<16xf32>,
      %swap3A_241 = vector.shape_cast %swap3A_240 : vector<16xf32> to vector<16xf32>
      %swap3A_242 = vector.shape_cast %broadcast_in_dim3A_160 : vector<16xf32> to vector<16xf32>
      tpu.vector_store %arg5[%swap3A_239], %swap3A_242 {strides = array<i32>} : memref<16384xf32, #tpu.memory_space<vmem>>, vector<16xf32>,
      %mul3A_243 = arith.constant 128 : i32
      %mul3A_244 = arith.muli %scan3A_185, %mul3A_243 : i32
      %add3A_245 = arith.constant 112 : i32
      %add3A_246 = arith.addi %mul3A_244, %add3A_245 : i32
      %swap3A_247 = arith.index_cast %add3A_246 : i32 to index
      %swap3A_248 = tpu.vector_load %arg5[%swap3A_247] {strides = array<i32>} : memref<16384xf32, #tpu.memory_space<vmem>>, vector<16xf32>,
      %swap3A_249 = vector.shape_cast %swap3A_248 : vector<16xf32> to vector<16xf32>
      %swap3A_250 = vector.shape_cast %broadcast_in_dim3A_160 : vector<16xf32> to vector<16xf32>
      tpu.vector_store %arg5[%swap3A_247], %swap3A_250 {strides = array<i32>} : memref<16384xf32, #tpu.memory_space<vmem>>, vector<16xf32>,
      %scan3A_251 = arith.constant 0 : i32
      scf.yield %scan3A_251 : i32
    }
    %scan3A_166 = arith.constant 128 : i32
    %scan3A_167 = arith.constant 0 : i32
    %scan3A_168 = arith.constant 0 : i32
    %scan3A_169 = arith.constant 64 : i32
    %scan3A_170 = arith.addi %scan3A_168, %scan3A_169 : i32
    %scan3A_171 = arith.constant 1 : i32
    %scan3A_172 = scf.for %scan3A_185 = %scan3A_168 to %scan3A_170 step %scan3A_171 iter_args(%scan3A_186 = %scan3A_167) -> (i32)  : i32 {
      %mul3A_187 = arith.constant 9 : i32
      %mul3A_188 = arith.muli %scan3A_185, %mul3A_187 : i32
      %get3A = arith.index_cast %mul3A_188 : i32 to index
      %get3A_189 = tpu.vector_load %arg4[%get3A] {strides = array<i32>} : memref<584xf32, #tpu.memory_space<vmem>>, vector<16xf32>,
      %get3A_190 = vector.shape_cast %get3A_189 : vector<16xf32> to vector<16xf32>
      %slice3A = vector.extract_strided_slice %get3A_190 {offsets = [0], sizes = [1], strides = [1]} : vector<16xf32> to vector<1xf32>
      %squeeze3A = vector.extract %slice3A[0] : f32 from vector<1xf32>
      %slice3A_191 = vector.extract_strided_slice %get3A_190 {offsets = [1], sizes = [1], strides = [1]} : vector<16xf32> to vector<1xf32>
      %squeeze3A_192 = vector.extract %slice3A_191[0] : f32 from vector<1xf32>
      %slice3A_193 = vector.extract_strided_slice %get3A_190 {offsets = [2], sizes = [1], strides = [1]} : vector<16xf32> to vector<1xf32>
      %squeeze3A_194 = vector.extract %slice3A_193[0] : f32 from vector<1xf32>
      %slice3A_195 = vector.extract_strided_slice %get3A_190 {offsets = [3], sizes = [1], strides = [1]} : vector<16xf32> to vector<1xf32>
      %squeeze3A_196 = vector.extract %slice3A_195[0] : f32 from vector<1xf32>
      %slice3A_197 = vector.extract_strided_slice %get3A_190 {offsets = [4], sizes = [1], strides = [1]} : vector<16xf32> to vector<1xf32>
      %squeeze3A_198 = vector.extract %slice3A_197[0] : f32 from vector<1xf32>
      %slice3A_199 = vector.extract_strided_slice %get3A_190 {offsets = [5], sizes = [1], strides = [1]} : vector<16xf32> to vector<1xf32>
      %squeeze3A_200 = vector.extract %slice3A_199[0] : f32 from vector<1xf32>
      %slice3A_201 = vector.extract_strided_slice %get3A_190 {offsets = [6], sizes = [1], strides = [1]} : vector<16xf32> to vector<1xf32>
      %squeeze3A_202 = vector.extract %slice3A_201[0] : f32 from vector<1xf32>
      %slice3A_203 = vector.extract_strided_slice %get3A_190 {offsets = [7], sizes = [1], strides = [1]} : vector<16xf32> to vector<1xf32>
      %squeeze3A_204 = vector.extract %slice3A_203[0] : f32 from vector<1xf32>
      %slice3A_205 = vector.extract_strided_slice %get3A_190 {offsets = [8], sizes = [1], strides = [1]} : vector<16xf32> to vector<1xf32>
      %squeeze3A_206 = vector.extract %slice3A_205[0] : f32 from vector<1xf32>
      %min3A = arith.minimumf %squeeze3A, %squeeze3A_196 : f32
      %min3A_207 = arith.minimumf %min3A, %squeeze3A_202 : f32
      %max3A = arith.maximumf %squeeze3A, %squeeze3A_196 : f32
      %max3A_208 = arith.maximumf %max3A, %squeeze3A_202 : f32
      %min3A_209 = arith.minimumf %squeeze3A_192, %squeeze3A_198 : f32
      %min3A_210 = arith.minimumf %min3A_209, %squeeze3A_204 : f32
      %max3A_211 = arith.maximumf %squeeze3A_192, %squeeze3A_198 : f32
      %max3A_212 = arith.maximumf %max3A_211, %squeeze3A_204 : f32
      %add3A_213 = arith.constant 1.000000e+00 : f32
      %add3A_214 = arith.addf %min3A_207, %add3A_213 : f32
      %mul3A_215 = arith.constant 6.400000e+01 : f32
      %mul3A_216 = arith.mulf %add3A_214, %mul3A_215 : f32
      %sub3A_217 = arith.constant 5.000000e-01 : f32
      %sub3A_218 = arith.subf %mul3A_216, %sub3A_217 : f32
      %jit3A = arith.constant 0.000000e+00 : f32
      %jit3A_219 = arith.constant 1.270000e+02 : f32
      %max3A_220 = arith.maximumf %jit3A, %sub3A_218 : f32
      %min3A_221 = arith.minimumf %jit3A_219, %max3A_220 : f32
      %convert_element_type3A_222 = arith.fptosi %min3A_221 : f32 to i32
      %add3A_223 = arith.constant 1.000000e+00 : f32
      %add3A_224 = arith.addf %max3A_208, %add3A_223 : f32
      %mul3A_225 = arith.constant 6.400000e+01 : f32
      %mul3A_226 = arith.mulf %add3A_224, %mul3A_225 : f32
      %sub3A_227 = arith.constant 5.000000e-01 : f32
      %sub3A_228 = arith.subf %mul3A_226, %sub3A_227 : f32
      %jit3A_229 = arith.constant -2.000000e+00 : f32
      %jit3A_230 = arith.constant 1.270000e+02 : f32
      %max3A_231 = arith.maximumf %jit3A_229, %sub3A_228 : f32
      %min3A_232 = arith.minimumf %jit3A_230, %max3A_231 : f32
      %convert_element_type3A_233 = arith.fptosi %min3A_232 : f32 to i32
      %add3A_234 = arith.constant 1 : i32
      %add3A_235 = arith.addi %convert_element_type3A_233, %add3A_234 : i32
      %min3A_236 = arith.constant 127 : i32
      %min3A_237 = arith.minsi %add3A_235, %min3A_236 : i32
      %add3A_238 = arith.constant 1.000000e+00 : f32
      %add3A_239 = arith.addf %min3A_210, %add3A_238 : f32
      %mul3A_240 = arith.constant 6.400000e+01 : f32
      %mul3A_241 = arith.mulf %add3A_239, %mul3A_240 : f32
      %sub3A_242 = arith.constant 5.000000e-01 : f32
      %sub3A_243 = arith.subf %mul3A_241, %sub3A_242 : f32
      %jit3A_244 = arith.constant 0.000000e+00 : f32
      %jit3A_245 = arith.constant 1.270000e+02 : f32
      %max3A_246 = arith.maximumf %jit3A_244, %sub3A_243 : f32
      %min3A_247 = arith.minimumf %jit3A_245, %max3A_246 : f32
      %convert_element_type3A_248 = arith.fptosi %min3A_247 : f32 to i32
      %add3A_249 = arith.constant 1.000000e+00 : f32
      %add3A_250 = arith.addf %max3A_212, %add3A_249 : f32
      %mul3A_251 = arith.constant 6.400000e+01 : f32
      %mul3A_252 = arith.mulf %add3A_250, %mul3A_251 : f32
      %sub3A_253 = arith.constant 5.000000e-01 : f32
      %sub3A_254 = arith.subf %mul3A_252, %sub3A_253 : f32
      %jit3A_255 = arith.constant -2.000000e+00 : f32
      %jit3A_256 = arith.constant 1.270000e+02 : f32
      %max3A_257 = arith.maximumf %jit3A_255, %sub3A_254 : f32
      %min3A_258 = arith.minimumf %jit3A_256, %max3A_257 : f32
      %convert_element_type3A_259 = arith.fptosi %min3A_258 : f32 to i32
      %add3A_260 = arith.constant 1 : i32
      %add3A_261 = arith.addi %convert_element_type3A_259, %add3A_260 : i32
      %min3A_262 = arith.constant 127 : i32
      %min3A_263 = arith.minsi %add3A_261, %min3A_262 : i32
      %sub3A_264 = arith.subi %min3A_237, %convert_element_type3A_222 : i32
      %shift_right_arithmetic3A = arith.constant 4 : i32
      %shift_right_arithmetic3A_265 = arith.shrsi %sub3A_264, %shift_right_arithmetic3A : i32
      %add3A_266 = arith.constant 1 : i32
      %add3A_267 = arith.addi %shift_right_arithmetic3A_265, %add3A_266 : i32
      %broadcast_in_dim3A_268 = vector.broadcast %squeeze3A : f32 to vector<16xf32>
      %broadcast_in_dim3A_269 = vector.broadcast %squeeze3A_192 : f32 to vector<16xf32>
      %broadcast_in_dim3A_270 = vector.broadcast %squeeze3A_196 : f32 to vector<16xf32>
      %broadcast_in_dim3A_271 = vector.broadcast %squeeze3A_198 : f32 to vector<16xf32>
      %broadcast_in_dim3A_272 = vector.broadcast %squeeze3A_202 : f32 to vector<16xf32>
      %broadcast_in_dim3A_273 = vector.broadcast %squeeze3A_204 : f32 to vector<16xf32>
      %broadcast_in_dim3A_274 = vector.broadcast %squeeze3A_194 : f32 to vector<16xf32>
      %div3A = arith.constant 1.000000e+00 : f32
      %div3A_275 = vector.broadcast %div3A : f32 to vector<16xf32>
      %div3A_276 = arith.divf %div3A_275, %broadcast_in_dim3A_274 : vector<16xf32>
      %broadcast_in_dim3A_277 = vector.broadcast %squeeze3A_200 : f32 to vector<16xf32>
      %div3A_278 = arith.constant 1.000000e+00 : f32
      %div3A_279 = vector.broadcast %div3A_278 : f32 to vector<16xf32>
      %div3A_280 = arith.divf %div3A_279, %broadcast_in_dim3A_277 : vector<16xf32>
      %broadcast_in_dim3A_281 = vector.broadcast %squeeze3A_206 : f32 to vector<16xf32>
      %div3A_282 = arith.constant 1.000000e+00 : f32
      %div3A_283 = vector.broadcast %div3A_282 : f32 to vector<16xf32>
      %div3A_284 = arith.divf %div3A_283, %broadcast_in_dim3A_281 : vector<16xf32>
      %sub3A_285 = arith.subi %min3A_263, %convert_element_type3A_248 : i32
      %add3A_286 = arith.constant 2 : i32
      %add3A_287 = arith.addi %sub3A_285, %add3A_286 : i32
      %shift_right_arithmetic3A_288 = arith.constant 1 : i32
      %shift_right_arithmetic3A_289 = arith.shrsi %add3A_287, %shift_right_arithmetic3A_288 : i32
      %while3A = arith.constant 0 : i32
      %while3A_290 = arith.constant 0 : i32
      %while3A_291 = arith.subi %shift_right_arithmetic3A_289, %while3A : i32
      %while3A_292 = arith.addi %while3A, %while3A_291 : i32
      %while3A_293 = arith.constant 1 : i32
      %while3A_294 = arith.divsi %while3A_291, %while3A_293 : i32
      %while3A_295 = arith.muli %while3A_294, %while3A_293 : i32
      %while3A_296 = arith.addi %while3A, %while3A_295 : i32
      %while3A_297 = arith.constant 1 : i32
      %while3A_298 = scf.for %while3A_302 = %while3A to %while3A_296 step %while3A_297 iter_args(%while3A_303 = %while3A_290) -> (i32)  : i32 {
        %mul3A_304 = arith.constant 2 : i32
        %mul3A_305 = arith.muli %mul3A_304, %while3A_302 : i32
        %add3A_306 = arith.addi %convert_element_type3A_248, %mul3A_305 : i32
        %add3A_307 = arith.constant 1 : i32
        %add3A_308 = arith.addi %add3A_306, %add3A_307 : i32
        %min3A_309 = arith.constant 127 : i32
        %min3A_310 = arith.minsi %add3A_308, %min3A_309 : i32
        %convert_element_type3A_311 = arith.sitofp %add3A_306 : i32 to f32
        %mul3A_312 = arith.constant 2.000000e+00 : f32
        %mul3A_313 = arith.mulf %mul3A_312, %convert_element_type3A_311 : f32
        %add3A_314 = arith.constant 1.000000e+00 : f32
        %add3A_315 = arith.addf %mul3A_313, %add3A_314 : f32
        %sub3A_316 = arith.constant 1.280000e+02 : f32
        %sub3A_317 = arith.subf %add3A_315, %sub3A_316 : f32
        %mul3A_318 = arith.constant 7.812500e-03 : f32
        %mul3A_319 = arith.mulf %sub3A_317, %mul3A_318 : f32
        %convert_element_type3A_320 = arith.sitofp %min3A_310 : i32 to f32
        %mul3A_321 = arith.constant 2.000000e+00 : f32
        %mul3A_322 = arith.mulf %mul3A_321, %convert_element_type3A_320 : f32
        %add3A_323 = arith.constant 1.000000e+00 : f32
        %add3A_324 = arith.addf %mul3A_322, %add3A_323 : f32
        %sub3A_325 = arith.constant 1.280000e+02 : f32
        %sub3A_326 = arith.subf %add3A_324, %sub3A_325 : f32
        %mul3A_327 = arith.constant 7.812500e-03 : f32
        %mul3A_328 = arith.mulf %sub3A_326, %mul3A_327 : f32
        %sub3A_329 = vector.broadcast %mul3A_319 : f32 to vector<16xf32>
        %sub3A_330 = arith.subf %broadcast_in_dim3A_269, %sub3A_329 : vector<16xf32>
        %sub3A_331 = vector.broadcast %mul3A_319 : f32 to vector<16xf32>
        %sub3A_332 = arith.subf %broadcast_in_dim3A_271, %sub3A_331 : vector<16xf32>
        %sub3A_333 = vector.broadcast %mul3A_319 : f32 to vector<16xf32>
        %sub3A_334 = arith.subf %broadcast_in_dim3A_273, %sub3A_333 : vector<16xf32>
        %sub3A_335 = vector.broadcast %mul3A_328 : f32 to vector<16xf32>
        %sub3A_336 = arith.subf %broadcast_in_dim3A_269, %sub3A_335 : vector<16xf32>
        %sub3A_337 = vector.broadcast %mul3A_328 : f32 to vector<16xf32>
        %sub3A_338 = arith.subf %broadcast_in_dim3A_271, %sub3A_337 : vector<16xf32>
        %sub3A_339 = vector.broadcast %mul3A_328 : f32 to vector<16xf32>
        %sub3A_340 = arith.subf %broadcast_in_dim3A_273, %sub3A_339 : vector<16xf32>
        %mul3A_341 = arith.constant 128 : i32
        %mul3A_342 = arith.muli %add3A_306, %mul3A_341 : i32
        %mul3A_343 = arith.constant 128 : i32
        %mul3A_344 = arith.muli %min3A_310, %mul3A_343 : i32
        %while3A_345 = arith.constant 0 : i32
        %while3A_346 = arith.constant 0 : i32
        %while3A_347 = arith.subi %add3A_267, %while3A_345 : i32
        %while3A_348 = arith.addi %while3A_345, %while3A_347 : i32
        %while3A_349 = arith.constant 1 : i32
        %while3A_350 = arith.divsi %while3A_347, %while3A_349 : i32
        %while3A_351 = arith.muli %while3A_350, %while3A_349 : i32
        %while3A_352 = arith.addi %while3A_345, %while3A_351 : i32
        %while3A_353 = arith.constant 1 : i32
        %while3A_354 = scf.for %while3A_358 = %while3A_345 to %while3A_352 step %while3A_353 iter_args(%while3A_359 = %while3A_346) -> (i32)  : i32 {
          %mul3A_360 = arith.constant 16 : i32
          %mul3A_361 = arith.muli %while3A_358, %mul3A_360 : i32
          %add3A_362 = arith.addi %convert_element_type3A_222, %mul3A_361 : i32
          %min3A_363 = arith.constant 112 : i32
          %min3A_364 = arith.minsi %add3A_362, %min3A_363 : i32
          %get3A_365 = arith.index_cast %min3A_364 : i32 to index
          %get3A_366 = tpu.vector_load %arg6[%get3A_365] {strides = array<i32>} : memref<128xf32, #tpu.memory_space<vmem>>, vector<16xf32>,
          %get3A_367 = vector.shape_cast %get3A_366 : vector<16xf32> to vector<16xf32>
          %sub3A_368 = arith.subf %broadcast_in_dim3A_268, %get3A_367 : vector<16xf32>
          %sub3A_369 = arith.subf %broadcast_in_dim3A_270, %get3A_367 : vector<16xf32>
          %sub3A_370 = arith.subf %broadcast_in_dim3A_272, %get3A_367 : vector<16xf32>
          %mul3A_371 = arith.mulf %sub3A_369, %sub3A_334 : vector<16xf32>
          %mul3A_372 = arith.mulf %sub3A_332, %sub3A_370 : vector<16xf32>
          %sub3A_373 = arith.subf %mul3A_371, %mul3A_372 : vector<16xf32>
          %mul3A_374 = arith.mulf %sub3A_370, %sub3A_330 : vector<16xf32>
          %mul3A_375 = arith.mulf %sub3A_334, %sub3A_368 : vector<16xf32>
          %sub3A_376 = arith.subf %mul3A_374, %mul3A_375 : vector<16xf32>
          %mul3A_377 = arith.mulf %sub3A_368, %sub3A_332 : vector<16xf32>
          %mul3A_378 = arith.mulf %sub3A_330, %sub3A_369 : vector<16xf32>
          %sub3A_379 = arith.subf %mul3A_377, %mul3A_378 : vector<16xf32>
          %add3A_380 = arith.addf %sub3A_373, %sub3A_376 : vector<16xf32>
          %add3A_381 = arith.addf %add3A_380, %sub3A_379 : vector<16xf32>
          %mul3A_382 = arith.mulf %sub3A_373, %sub3A_376 : vector<16xf32>
          %gt3A = arith.constant 0.000000e+00 : f32
          %gt3A_383 = vector.broadcast %gt3A : f32 to vector<16xf32>
          %gt3A_384 = arith.cmpf ogt, %mul3A_382, %gt3A_383 : vector<16xf32>
          %mul3A_385 = arith.mulf %sub3A_373, %sub3A_379 : vector<16xf32>
          %gt3A_386 = arith.constant 0.000000e+00 : f32
          %gt3A_387 = vector.broadcast %gt3A_386 : f32 to vector<16xf32>
          %gt3A_388 = arith.cmpf ogt, %mul3A_385, %gt3A_387 : vector<16xf32>
          %and3A = arith.andi %gt3A_384, %gt3A_388 : vector<16xi1>
          %abs3A = math.absf %add3A_381 : vector<16xf32>
          %lt3A = arith.constant 9.99999996E-13 : f32
          %lt3A_389 = vector.broadcast %lt3A : f32 to vector<16xf32>
          %lt3A_390 = arith.cmpf olt, %abs3A, %lt3A_389 : vector<16xf32>
          %jit3A_391 = arith.constant 1.000000e+00 : f32
          %broadcast_in_dim3A_392 = vector.broadcast %jit3A_391 : f32 to vector<16xf32>
          %select_n3A = arith.select %lt3A_390, %broadcast_in_dim3A_392, %add3A_381 : vector<16xi1>, vector<16xf32>
          %mul3A_393 = arith.mulf %sub3A_373, %div3A_276 : vector<16xf32>
          %mul3A_394 = arith.mulf %sub3A_376, %div3A_280 : vector<16xf32>
          %add3A_395 = arith.addf %mul3A_393, %mul3A_394 : vector<16xf32>
          %mul3A_396 = arith.mulf %sub3A_379, %div3A_284 : vector<16xf32>
          %add3A_397 = arith.addf %add3A_395, %mul3A_396 : vector<16xf32>
          %div3A_398 = arith.divf %add3A_397, %select_n3A : vector<16xf32>
          %lt3A_399 = arith.constant 1.000000e+01 : f32
          %lt3A_400 = vector.broadcast %lt3A_399 : f32 to vector<16xf32>
          %lt3A_401 = arith.cmpf olt, %div3A_398, %lt3A_400 : vector<16xf32>
          %and3A_402 = arith.andi %and3A, %lt3A_401 : vector<16xi1>
          %jit3A_403 = arith.constant 0.00999999977 : f32
          %broadcast_in_dim3A_404 = vector.broadcast %jit3A_403 : f32 to vector<16xf32>
          %select_n3A_405 = arith.select %and3A_402, %div3A_398, %broadcast_in_dim3A_404 : vector<16xi1>, vector<16xf32>
          %mul3A_406 = arith.mulf %sub3A_369, %sub3A_340 : vector<16xf32>
          %mul3A_407 = arith.mulf %sub3A_338, %sub3A_370 : vector<16xf32>
          %sub3A_408 = arith.subf %mul3A_406, %mul3A_407 : vector<16xf32>
          %mul3A_409 = arith.mulf %sub3A_370, %sub3A_336 : vector<16xf32>
          %mul3A_410 = arith.mulf %sub3A_340, %sub3A_368 : vector<16xf32>
          %sub3A_411 = arith.subf %mul3A_409, %mul3A_410 : vector<16xf32>
          %mul3A_412 = arith.mulf %sub3A_368, %sub3A_338 : vector<16xf32>
          %mul3A_413 = arith.mulf %sub3A_336, %sub3A_369 : vector<16xf32>
          %sub3A_414 = arith.subf %mul3A_412, %mul3A_413 : vector<16xf32>
          %add3A_415 = arith.addf %sub3A_408, %sub3A_411 : vector<16xf32>
          %add3A_416 = arith.addf %add3A_415, %sub3A_414 : vector<16xf32>
          %mul3A_417 = arith.mulf %sub3A_408, %sub3A_411 : vector<16xf32>
          %gt3A_418 = arith.constant 0.000000e+00 : f32
          %gt3A_419 = vector.broadcast %gt3A_418 : f32 to vector<16xf32>
          %gt3A_420 = arith.cmpf ogt, %mul3A_417, %gt3A_419 : vector<16xf32>
          %mul3A_421 = arith.mulf %sub3A_408, %sub3A_414 : vector<16xf32>
          %gt3A_422 = arith.constant 0.000000e+00 : f32
          %gt3A_423 = vector.broadcast %gt3A_422 : f32 to vector<16xf32>
          %gt3A_424 = arith.cmpf ogt, %mul3A_421, %gt3A_423 : vector<16xf32>
          %and3A_425 = arith.andi %gt3A_420, %gt3A_424 : vector<16xi1>
          %abs3A_426 = math.absf %add3A_416 : vector<16xf32>
          %lt3A_427 = arith.constant 9.99999996E-13 : f32
          %lt3A_428 = vector.broadcast %lt3A_427 : f32 to vector<16xf32>
          %lt3A_429 = arith.cmpf olt, %abs3A_426, %lt3A_428 : vector<16xf32>
          %jit3A_430 = arith.constant 1.000000e+00 : f32
          %broadcast_in_dim3A_431 = vector.broadcast %jit3A_430 : f32 to vector<16xf32>
          %select_n3A_432 = arith.select %lt3A_429, %broadcast_in_dim3A_431, %add3A_416 : vector<16xi1>, vector<16xf32>
          %mul3A_433 = arith.mulf %sub3A_408, %div3A_276 : vector<16xf32>
          %mul3A_434 = arith.mulf %sub3A_411, %div3A_280 : vector<16xf32>
          %add3A_435 = arith.addf %mul3A_433, %mul3A_434 : vector<16xf32>
          %mul3A_436 = arith.mulf %sub3A_414, %div3A_284 : vector<16xf32>
          %add3A_437 = arith.addf %add3A_435, %mul3A_436 : vector<16xf32>
          %div3A_438 = arith.divf %add3A_437, %select_n3A_432 : vector<16xf32>
          %lt3A_439 = arith.constant 1.000000e+01 : f32
          %lt3A_440 = vector.broadcast %lt3A_439 : f32 to vector<16xf32>
          %lt3A_441 = arith.cmpf olt, %div3A_438, %lt3A_440 : vector<16xf32>
          %and3A_442 = arith.andi %and3A_425, %lt3A_441 : vector<16xi1>
          %jit3A_443 = arith.constant 0.00999999977 : f32
          %broadcast_in_dim3A_444 = vector.broadcast %jit3A_443 : f32 to vector<16xf32>
          %select_n3A_445 = arith.select %and3A_442, %div3A_438, %broadcast_in_dim3A_444 : vector<16xi1>, vector<16xf32>
          %add3A_446 = arith.addi %mul3A_342, %min3A_364 : i32
          %get3A_447 = arith.index_cast %add3A_446 : i32 to index
          %get3A_448 = tpu.vector_load %arg5[%get3A_447] {strides = array<i32>} : memref<16384xf32, #tpu.memory_space<vmem>>, vector<16xf32>,
          %get3A_449 = vector.shape_cast %get3A_448 : vector<16xf32> to vector<16xf32>
          %max3A_450 = arith.maximumf %get3A_449, %select_n3A_405 : vector<16xf32>
          %add3A_451 = arith.addi %mul3A_342, %min3A_364 : i32
          %swap3A_452 = arith.index_cast %add3A_451 : i32 to index
          %swap3A_453 = tpu.vector_load %arg5[%swap3A_452] {strides = array<i32>} : memref<16384xf32, #tpu.memory_space<vmem>>, vector<16xf32>,
          %swap3A_454 = vector.shape_cast %swap3A_453 : vector<16xf32> to vector<16xf32>
          %swap3A_455 = vector.shape_cast %max3A_450 : vector<16xf32> to vector<16xf32>
          tpu.vector_store %arg5[%swap3A_452], %swap3A_455 {strides = array<i32>} : memref<16384xf32, #tpu.memory_space<vmem>>, vector<16xf32>,
          %add3A_456 = arith.addi %mul3A_344, %min3A_364 : i32
          %get3A_457 = arith.index_cast %add3A_456 : i32 to index
          %get3A_458 = tpu.vector_load %arg5[%get3A_457] {strides = array<i32>} : memref<16384xf32, #tpu.memory_space<vmem>>, vector<16xf32>,
          %get3A_459 = vector.shape_cast %get3A_458 : vector<16xf32> to vector<16xf32>
          %max3A_460 = arith.maximumf %get3A_459, %select_n3A_445 : vector<16xf32>
          %add3A_461 = arith.addi %mul3A_344, %min3A_364 : i32
          %swap3A_462 = arith.index_cast %add3A_461 : i32 to index
          %swap3A_463 = tpu.vector_load %arg5[%swap3A_462] {strides = array<i32>} : memref<16384xf32, #tpu.memory_space<vmem>>, vector<16xf32>,
          %swap3A_464 = vector.shape_cast %swap3A_463 : vector<16xf32> to vector<16xf32>
          %swap3A_465 = vector.shape_cast %max3A_460 : vector<16xf32> to vector<16xf32>
          tpu.vector_store %arg5[%swap3A_462], %swap3A_465 {strides = array<i32>} : memref<16384xf32, #tpu.memory_space<vmem>>, vector<16xf32>,
          %while3A_466 = arith.constant 0 : i32
          scf.yield %while3A_466 : i32
        }
        %while3A_355 = arith.constant 1 : i32
        %while3A_356 = scf.for %while3A_358 = %while3A_352 to %while3A_348 step %while3A_355 iter_args(%while3A_359 = %while3A_354) -> (i32)  : i32 {
          %mul3A_360 = arith.constant 16 : i32
          %mul3A_361 = arith.muli %while3A_358, %mul3A_360 : i32
          %add3A_362 = arith.addi %convert_element_type3A_222, %mul3A_361 : i32
          %min3A_363 = arith.constant 112 : i32
          %min3A_364 = arith.minsi %add3A_362, %min3A_363 : i32
          %get3A_365 = arith.index_cast %min3A_364 : i32 to index
          %get3A_366 = tpu.vector_load %arg6[%get3A_365] {strides = array<i32>} : memref<128xf32, #tpu.memory_space<vmem>>, vector<16xf32>,
          %get3A_367 = vector.shape_cast %get3A_366 : vector<16xf32> to vector<16xf32>
          %sub3A_368 = arith.subf %broadcast_in_dim3A_268, %get3A_367 : vector<16xf32>
          %sub3A_369 = arith.subf %broadcast_in_dim3A_270, %get3A_367 : vector<16xf32>
          %sub3A_370 = arith.subf %broadcast_in_dim3A_272, %get3A_367 : vector<16xf32>
          %mul3A_371 = arith.mulf %sub3A_369, %sub3A_334 : vector<16xf32>
          %mul3A_372 = arith.mulf %sub3A_332, %sub3A_370 : vector<16xf32>
          %sub3A_373 = arith.subf %mul3A_371, %mul3A_372 : vector<16xf32>
          %mul3A_374 = arith.mulf %sub3A_370, %sub3A_330 : vector<16xf32>
          %mul3A_375 = arith.mulf %sub3A_334, %sub3A_368 : vector<16xf32>
          %sub3A_376 = arith.subf %mul3A_374, %mul3A_375 : vector<16xf32>
          %mul3A_377 = arith.mulf %sub3A_368, %sub3A_332 : vector<16xf32>
          %mul3A_378 = arith.mulf %sub3A_330, %sub3A_369 : vector<16xf32>
          %sub3A_379 = arith.subf %mul3A_377, %mul3A_378 : vector<16xf32>
          %add3A_380 = arith.addf %sub3A_373, %sub3A_376 : vector<16xf32>
          %add3A_381 = arith.addf %add3A_380, %sub3A_379 : vector<16xf32>
          %mul3A_382 = arith.mulf %sub3A_373, %sub3A_376 : vector<16xf32>
          %gt3A = arith.constant 0.000000e+00 : f32
          %gt3A_383 = vector.broadcast %gt3A : f32 to vector<16xf32>
          %gt3A_384 = arith.cmpf ogt, %mul3A_382, %gt3A_383 : vector<16xf32>
          %mul3A_385 = arith.mulf %sub3A_373, %sub3A_379 : vector<16xf32>
          %gt3A_386 = arith.constant 0.000000e+00 : f32
          %gt3A_387 = vector.broadcast %gt3A_386 : f32 to vector<16xf32>
          %gt3A_388 = arith.cmpf ogt, %mul3A_385, %gt3A_387 : vector<16xf32>
          %and3A = arith.andi %gt3A_384, %gt3A_388 : vector<16xi1>
          %abs3A = math.absf %add3A_381 : vector<16xf32>
          %lt3A = arith.constant 9.99999996E-13 : f32
          %lt3A_389 = vector.broadcast %lt3A : f32 to vector<16xf32>
          %lt3A_390 = arith.cmpf olt, %abs3A, %lt3A_389 : vector<16xf32>
          %jit3A_391 = arith.constant 1.000000e+00 : f32
          %broadcast_in_dim3A_392 = vector.broadcast %jit3A_391 : f32 to vector<16xf32>
          %select_n3A = arith.select %lt3A_390, %broadcast_in_dim3A_392, %add3A_381 : vector<16xi1>, vector<16xf32>
          %mul3A_393 = arith.mulf %sub3A_373, %div3A_276 : vector<16xf32>
          %mul3A_394 = arith.mulf %sub3A_376, %div3A_280 : vector<16xf32>
          %add3A_395 = arith.addf %mul3A_393, %mul3A_394 : vector<16xf32>
          %mul3A_396 = arith.mulf %sub3A_379, %div3A_284 : vector<16xf32>
          %add3A_397 = arith.addf %add3A_395, %mul3A_396 : vector<16xf32>
          %div3A_398 = arith.divf %add3A_397, %select_n3A : vector<16xf32>
          %lt3A_399 = arith.constant 1.000000e+01 : f32
          %lt3A_400 = vector.broadcast %lt3A_399 : f32 to vector<16xf32>
          %lt3A_401 = arith.cmpf olt, %div3A_398, %lt3A_400 : vector<16xf32>
          %and3A_402 = arith.andi %and3A, %lt3A_401 : vector<16xi1>
          %jit3A_403 = arith.constant 0.00999999977 : f32
          %broadcast_in_dim3A_404 = vector.broadcast %jit3A_403 : f32 to vector<16xf32>
          %select_n3A_405 = arith.select %and3A_402, %div3A_398, %broadcast_in_dim3A_404 : vector<16xi1>, vector<16xf32>
          %mul3A_406 = arith.mulf %sub3A_369, %sub3A_340 : vector<16xf32>
          %mul3A_407 = arith.mulf %sub3A_338, %sub3A_370 : vector<16xf32>
          %sub3A_408 = arith.subf %mul3A_406, %mul3A_407 : vector<16xf32>
          %mul3A_409 = arith.mulf %sub3A_370, %sub3A_336 : vector<16xf32>
          %mul3A_410 = arith.mulf %sub3A_340, %sub3A_368 : vector<16xf32>
          %sub3A_411 = arith.subf %mul3A_409, %mul3A_410 : vector<16xf32>
          %mul3A_412 = arith.mulf %sub3A_368, %sub3A_338 : vector<16xf32>
          %mul3A_413 = arith.mulf %sub3A_336, %sub3A_369 : vector<16xf32>
          %sub3A_414 = arith.subf %mul3A_412, %mul3A_413 : vector<16xf32>
          %add3A_415 = arith.addf %sub3A_408, %sub3A_411 : vector<16xf32>
          %add3A_416 = arith.addf %add3A_415, %sub3A_414 : vector<16xf32>
          %mul3A_417 = arith.mulf %sub3A_408, %sub3A_411 : vector<16xf32>
          %gt3A_418 = arith.constant 0.000000e+00 : f32
          %gt3A_419 = vector.broadcast %gt3A_418 : f32 to vector<16xf32>
          %gt3A_420 = arith.cmpf ogt, %mul3A_417, %gt3A_419 : vector<16xf32>
          %mul3A_421 = arith.mulf %sub3A_408, %sub3A_414 : vector<16xf32>
          %gt3A_422 = arith.constant 0.000000e+00 : f32
          %gt3A_423 = vector.broadcast %gt3A_422 : f32 to vector<16xf32>
          %gt3A_424 = arith.cmpf ogt, %mul3A_421, %gt3A_423 : vector<16xf32>
          %and3A_425 = arith.andi %gt3A_420, %gt3A_424 : vector<16xi1>
          %abs3A_426 = math.absf %add3A_416 : vector<16xf32>
          %lt3A_427 = arith.constant 9.99999996E-13 : f32
          %lt3A_428 = vector.broadcast %lt3A_427 : f32 to vector<16xf32>
          %lt3A_429 = arith.cmpf olt, %abs3A_426, %lt3A_428 : vector<16xf32>
          %jit3A_430 = arith.constant 1.000000e+00 : f32
          %broadcast_in_dim3A_431 = vector.broadcast %jit3A_430 : f32 to vector<16xf32>
          %select_n3A_432 = arith.select %lt3A_429, %broadcast_in_dim3A_431, %add3A_416 : vector<16xi1>, vector<16xf32>
          %mul3A_433 = arith.mulf %sub3A_408, %div3A_276 : vector<16xf32>
          %mul3A_434 = arith.mulf %sub3A_411, %div3A_280 : vector<16xf32>
          %add3A_435 = arith.addf %mul3A_433, %mul3A_434 : vector<16xf32>
          %mul3A_436 = arith.mulf %sub3A_414, %div3A_284 : vector<16xf32>
          %add3A_437 = arith.addf %add3A_435, %mul3A_436 : vector<16xf32>
          %div3A_438 = arith.divf %add3A_437, %select_n3A_432 : vector<16xf32>
          %lt3A_439 = arith.constant 1.000000e+01 : f32
          %lt3A_440 = vector.broadcast %lt3A_439 : f32 to vector<16xf32>
          %lt3A_441 = arith.cmpf olt, %div3A_438, %lt3A_440 : vector<16xf32>
          %and3A_442 = arith.andi %and3A_425, %lt3A_441 : vector<16xi1>
          %jit3A_443 = arith.constant 0.00999999977 : f32
          %broadcast_in_dim3A_444 = vector.broadcast %jit3A_443 : f32 to vector<16xf32>
          %select_n3A_445 = arith.select %and3A_442, %div3A_438, %broadcast_in_dim3A_444 : vector<16xi1>, vector<16xf32>
          %add3A_446 = arith.addi %mul3A_342, %min3A_364 : i32
          %get3A_447 = arith.index_cast %add3A_446 : i32 to index
          %get3A_448 = tpu.vector_load %arg5[%get3A_447] {strides = array<i32>} : memref<16384xf32, #tpu.memory_space<vmem>>, vector<16xf32>,
          %get3A_449 = vector.shape_cast %get3A_448 : vector<16xf32> to vector<16xf32>
          %max3A_450 = arith.maximumf %get3A_449, %select_n3A_405 : vector<16xf32>
          %add3A_451 = arith.addi %mul3A_342, %min3A_364 : i32
          %swap3A_452 = arith.index_cast %add3A_451 : i32 to index
          %swap3A_453 = tpu.vector_load %arg5[%swap3A_452] {strides = array<i32>} : memref<16384xf32, #tpu.memory_space<vmem>>, vector<16xf32>,
          %swap3A_454 = vector.shape_cast %swap3A_453 : vector<16xf32> to vector<16xf32>
          %swap3A_455 = vector.shape_cast %max3A_450 : vector<16xf32> to vector<16xf32>
          tpu.vector_store %arg5[%swap3A_452], %swap3A_455 {strides = array<i32>} : memref<16384xf32, #tpu.memory_space<vmem>>, vector<16xf32>,
          %add3A_456 = arith.addi %mul3A_344, %min3A_364 : i32
          %get3A_457 = arith.index_cast %add3A_456 : i32 to index
          %get3A_458 = tpu.vector_load %arg5[%get3A_457] {strides = array<i32>} : memref<16384xf32, #tpu.memory_space<vmem>>, vector<16xf32>,
          %get3A_459 = vector.shape_cast %get3A_458 : vector<16xf32> to vector<16xf32>
          %max3A_460 = arith.maximumf %get3A_459, %select_n3A_445 : vector<16xf32>
          %add3A_461 = arith.addi %mul3A_344, %min3A_364 : i32
          %swap3A_462 = arith.index_cast %add3A_461 : i32 to index
          %swap3A_463 = tpu.vector_load %arg5[%swap3A_462] {strides = array<i32>} : memref<16384xf32, #tpu.memory_space<vmem>>, vector<16xf32>,
          %swap3A_464 = vector.shape_cast %swap3A_463 : vector<16xf32> to vector<16xf32>
          %swap3A_465 = vector.shape_cast %max3A_460 : vector<16xf32> to vector<16xf32>
          tpu.vector_store %arg5[%swap3A_462], %swap3A_465 {strides = array<i32>} : memref<16384xf32, #tpu.memory_space<vmem>>, vector<16xf32>,
          %while3A_466 = arith.constant 0 : i32
          scf.yield %while3A_466 : i32
        }
        %while3A_357 = arith.constant 0 : i32
        scf.yield %while3A_357 : i32
      }
      %while3A_299 = arith.constant 1 : i32
      %while3A_300 = scf.for %while3A_302 = %while3A_296 to %while3A_292 step %while3A_299 iter_args(%while3A_303 = %while3A_298) -> (i32)  : i32 {
        %mul3A_304 = arith.constant 2 : i32
        %mul3A_305 = arith.muli %mul3A_304, %while3A_302 : i32
        %add3A_306 = arith.addi %convert_element_type3A_248, %mul3A_305 : i32
        %add3A_307 = arith.constant 1 : i32
        %add3A_308 = arith.addi %add3A_306, %add3A_307 : i32
        %min3A_309 = arith.constant 127 : i32
        %min3A_310 = arith.minsi %add3A_308, %min3A_309 : i32
        %convert_element_type3A_311 = arith.sitofp %add3A_306 : i32 to f32
        %mul3A_312 = arith.constant 2.000000e+00 : f32
        %mul3A_313 = arith.mulf %mul3A_312, %convert_element_type3A_311 : f32
        %add3A_314 = arith.constant 1.000000e+00 : f32
        %add3A_315 = arith.addf %mul3A_313, %add3A_314 : f32
        %sub3A_316 = arith.constant 1.280000e+02 : f32
        %sub3A_317 = arith.subf %add3A_315, %sub3A_316 : f32
        %mul3A_318 = arith.constant 7.812500e-03 : f32
        %mul3A_319 = arith.mulf %sub3A_317, %mul3A_318 : f32
        %convert_element_type3A_320 = arith.sitofp %min3A_310 : i32 to f32
        %mul3A_321 = arith.constant 2.000000e+00 : f32
        %mul3A_322 = arith.mulf %mul3A_321, %convert_element_type3A_320 : f32
        %add3A_323 = arith.constant 1.000000e+00 : f32
        %add3A_324 = arith.addf %mul3A_322, %add3A_323 : f32
        %sub3A_325 = arith.constant 1.280000e+02 : f32
        %sub3A_326 = arith.subf %add3A_324, %sub3A_325 : f32
        %mul3A_327 = arith.constant 7.812500e-03 : f32
        %mul3A_328 = arith.mulf %sub3A_326, %mul3A_327 : f32
        %sub3A_329 = vector.broadcast %mul3A_319 : f32 to vector<16xf32>
        %sub3A_330 = arith.subf %broadcast_in_dim3A_269, %sub3A_329 : vector<16xf32>
        %sub3A_331 = vector.broadcast %mul3A_319 : f32 to vector<16xf32>
        %sub3A_332 = arith.subf %broadcast_in_dim3A_271, %sub3A_331 : vector<16xf32>
        %sub3A_333 = vector.broadcast %mul3A_319 : f32 to vector<16xf32>
        %sub3A_334 = arith.subf %broadcast_in_dim3A_273, %sub3A_333 : vector<16xf32>
        %sub3A_335 = vector.broadcast %mul3A_328 : f32 to vector<16xf32>
        %sub3A_336 = arith.subf %broadcast_in_dim3A_269, %sub3A_335 : vector<16xf32>
        %sub3A_337 = vector.broadcast %mul3A_328 : f32 to vector<16xf32>
        %sub3A_338 = arith.subf %broadcast_in_dim3A_271, %sub3A_337 : vector<16xf32>
        %sub3A_339 = vector.broadcast %mul3A_328 : f32 to vector<16xf32>
        %sub3A_340 = arith.subf %broadcast_in_dim3A_273, %sub3A_339 : vector<16xf32>
        %mul3A_341 = arith.constant 128 : i32
        %mul3A_342 = arith.muli %add3A_306, %mul3A_341 : i32
        %mul3A_343 = arith.constant 128 : i32
        %mul3A_344 = arith.muli %min3A_310, %mul3A_343 : i32
        %while3A_345 = arith.constant 0 : i32
        %while3A_346 = arith.constant 0 : i32
        %while3A_347 = arith.subi %add3A_267, %while3A_345 : i32
        %while3A_348 = arith.addi %while3A_345, %while3A_347 : i32
        %while3A_349 = arith.constant 1 : i32
        %while3A_350 = arith.divsi %while3A_347, %while3A_349 : i32
        %while3A_351 = arith.muli %while3A_350, %while3A_349 : i32
        %while3A_352 = arith.addi %while3A_345, %while3A_351 : i32
        %while3A_353 = arith.constant 1 : i32
        %while3A_354 = scf.for %while3A_358 = %while3A_345 to %while3A_352 step %while3A_353 iter_args(%while3A_359 = %while3A_346) -> (i32)  : i32 {
          %mul3A_360 = arith.constant 16 : i32
          %mul3A_361 = arith.muli %while3A_358, %mul3A_360 : i32
          %add3A_362 = arith.addi %convert_element_type3A_222, %mul3A_361 : i32
          %min3A_363 = arith.constant 112 : i32
          %min3A_364 = arith.minsi %add3A_362, %min3A_363 : i32
          %get3A_365 = arith.index_cast %min3A_364 : i32 to index
          %get3A_366 = tpu.vector_load %arg6[%get3A_365] {strides = array<i32>} : memref<128xf32, #tpu.memory_space<vmem>>, vector<16xf32>,
          %get3A_367 = vector.shape_cast %get3A_366 : vector<16xf32> to vector<16xf32>
          %sub3A_368 = arith.subf %broadcast_in_dim3A_268, %get3A_367 : vector<16xf32>
          %sub3A_369 = arith.subf %broadcast_in_dim3A_270, %get3A_367 : vector<16xf32>
          %sub3A_370 = arith.subf %broadcast_in_dim3A_272, %get3A_367 : vector<16xf32>
          %mul3A_371 = arith.mulf %sub3A_369, %sub3A_334 : vector<16xf32>
          %mul3A_372 = arith.mulf %sub3A_332, %sub3A_370 : vector<16xf32>
          %sub3A_373 = arith.subf %mul3A_371, %mul3A_372 : vector<16xf32>
          %mul3A_374 = arith.mulf %sub3A_370, %sub3A_330 : vector<16xf32>
          %mul3A_375 = arith.mulf %sub3A_334, %sub3A_368 : vector<16xf32>
          %sub3A_376 = arith.subf %mul3A_374, %mul3A_375 : vector<16xf32>
          %mul3A_377 = arith.mulf %sub3A_368, %sub3A_332 : vector<16xf32>
          %mul3A_378 = arith.mulf %sub3A_330, %sub3A_369 : vector<16xf32>
          %sub3A_379 = arith.subf %mul3A_377, %mul3A_378 : vector<16xf32>
          %add3A_380 = arith.addf %sub3A_373, %sub3A_376 : vector<16xf32>
          %add3A_381 = arith.addf %add3A_380, %sub3A_379 : vector<16xf32>
          %mul3A_382 = arith.mulf %sub3A_373, %sub3A_376 : vector<16xf32>
          %gt3A = arith.constant 0.000000e+00 : f32
          %gt3A_383 = vector.broadcast %gt3A : f32 to vector<16xf32>
          %gt3A_384 = arith.cmpf ogt, %mul3A_382, %gt3A_383 : vector<16xf32>
          %mul3A_385 = arith.mulf %sub3A_373, %sub3A_379 : vector<16xf32>
          %gt3A_386 = arith.constant 0.000000e+00 : f32
          %gt3A_387 = vector.broadcast %gt3A_386 : f32 to vector<16xf32>
          %gt3A_388 = arith.cmpf ogt, %mul3A_385, %gt3A_387 : vector<16xf32>
          %and3A = arith.andi %gt3A_384, %gt3A_388 : vector<16xi1>
          %abs3A = math.absf %add3A_381 : vector<16xf32>
          %lt3A = arith.constant 9.99999996E-13 : f32
          %lt3A_389 = vector.broadcast %lt3A : f32 to vector<16xf32>
          %lt3A_390 = arith.cmpf olt, %abs3A, %lt3A_389 : vector<16xf32>
          %jit3A_391 = arith.constant 1.000000e+00 : f32
          %broadcast_in_dim3A_392 = vector.broadcast %jit3A_391 : f32 to vector<16xf32>
          %select_n3A = arith.select %lt3A_390, %broadcast_in_dim3A_392, %add3A_381 : vector<16xi1>, vector<16xf32>
          %mul3A_393 = arith.mulf %sub3A_373, %div3A_276 : vector<16xf32>
          %mul3A_394 = arith.mulf %sub3A_376, %div3A_280 : vector<16xf32>
          %add3A_395 = arith.addf %mul3A_393, %mul3A_394 : vector<16xf32>
          %mul3A_396 = arith.mulf %sub3A_379, %div3A_284 : vector<16xf32>
          %add3A_397 = arith.addf %add3A_395, %mul3A_396 : vector<16xf32>
          %div3A_398 = arith.divf %add3A_397, %select_n3A : vector<16xf32>
          %lt3A_399 = arith.constant 1.000000e+01 : f32
          %lt3A_400 = vector.broadcast %lt3A_399 : f32 to vector<16xf32>
          %lt3A_401 = arith.cmpf olt, %div3A_398, %lt3A_400 : vector<16xf32>
          %and3A_402 = arith.andi %and3A, %lt3A_401 : vector<16xi1>
          %jit3A_403 = arith.constant 0.00999999977 : f32
          %broadcast_in_dim3A_404 = vector.broadcast %jit3A_403 : f32 to vector<16xf32>
          %select_n3A_405 = arith.select %and3A_402, %div3A_398, %broadcast_in_dim3A_404 : vector<16xi1>, vector<16xf32>
          %mul3A_406 = arith.mulf %sub3A_369, %sub3A_340 : vector<16xf32>
          %mul3A_407 = arith.mulf %sub3A_338, %sub3A_370 : vector<16xf32>
          %sub3A_408 = arith.subf %mul3A_406, %mul3A_407 : vector<16xf32>
          %mul3A_409 = arith.mulf %sub3A_370, %sub3A_336 : vector<16xf32>
          %mul3A_410 = arith.mulf %sub3A_340, %sub3A_368 : vector<16xf32>
          %sub3A_411 = arith.subf %mul3A_409, %mul3A_410 : vector<16xf32>
          %mul3A_412 = arith.mulf %sub3A_368, %sub3A_338 : vector<16xf32>
          %mul3A_413 = arith.mulf %sub3A_336, %sub3A_369 : vector<16xf32>
          %sub3A_414 = arith.subf %mul3A_412, %mul3A_413 : vector<16xf32>
          %add3A_415 = arith.addf %sub3A_408, %sub3A_411 : vector<16xf32>
          %add3A_416 = arith.addf %add3A_415, %sub3A_414 : vector<16xf32>
          %mul3A_417 = arith.mulf %sub3A_408, %sub3A_411 : vector<16xf32>
          %gt3A_418 = arith.constant 0.000000e+00 : f32
          %gt3A_419 = vector.broadcast %gt3A_418 : f32 to vector<16xf32>
          %gt3A_420 = arith.cmpf ogt, %mul3A_417, %gt3A_419 : vector<16xf32>
          %mul3A_421 = arith.mulf %sub3A_408, %sub3A_414 : vector<16xf32>
          %gt3A_422 = arith.constant 0.000000e+00 : f32
          %gt3A_423 = vector.broadcast %gt3A_422 : f32 to vector<16xf32>
          %gt3A_424 = arith.cmpf ogt, %mul3A_421, %gt3A_423 : vector<16xf32>
          %and3A_425 = arith.andi %gt3A_420, %gt3A_424 : vector<16xi1>
          %abs3A_426 = math.absf %add3A_416 : vector<16xf32>
          %lt3A_427 = arith.constant 9.99999996E-13 : f32
          %lt3A_428 = vector.broadcast %lt3A_427 : f32 to vector<16xf32>
          %lt3A_429 = arith.cmpf olt, %abs3A_426, %lt3A_428 : vector<16xf32>
          %jit3A_430 = arith.constant 1.000000e+00 : f32
          %broadcast_in_dim3A_431 = vector.broadcast %jit3A_430 : f32 to vector<16xf32>
          %select_n3A_432 = arith.select %lt3A_429, %broadcast_in_dim3A_431, %add3A_416 : vector<16xi1>, vector<16xf32>
          %mul3A_433 = arith.mulf %sub3A_408, %div3A_276 : vector<16xf32>
          %mul3A_434 = arith.mulf %sub3A_411, %div3A_280 : vector<16xf32>
          %add3A_435 = arith.addf %mul3A_433, %mul3A_434 : vector<16xf32>
          %mul3A_436 = arith.mulf %sub3A_414, %div3A_284 : vector<16xf32>
          %add3A_437 = arith.addf %add3A_435, %mul3A_436 : vector<16xf32>
          %div3A_438 = arith.divf %add3A_437, %select_n3A_432 : vector<16xf32>
          %lt3A_439 = arith.constant 1.000000e+01 : f32
          %lt3A_440 = vector.broadcast %lt3A_439 : f32 to vector<16xf32>
          %lt3A_441 = arith.cmpf olt, %div3A_438, %lt3A_440 : vector<16xf32>
          %and3A_442 = arith.andi %and3A_425, %lt3A_441 : vector<16xi1>
          %jit3A_443 = arith.constant 0.00999999977 : f32
          %broadcast_in_dim3A_444 = vector.broadcast %jit3A_443 : f32 to vector<16xf32>
          %select_n3A_445 = arith.select %and3A_442, %div3A_438, %broadcast_in_dim3A_444 : vector<16xi1>, vector<16xf32>
          %add3A_446 = arith.addi %mul3A_342, %min3A_364 : i32
          %get3A_447 = arith.index_cast %add3A_446 : i32 to index
          %get3A_448 = tpu.vector_load %arg5[%get3A_447] {strides = array<i32>} : memref<16384xf32, #tpu.memory_space<vmem>>, vector<16xf32>,
          %get3A_449 = vector.shape_cast %get3A_448 : vector<16xf32> to vector<16xf32>
          %max3A_450 = arith.maximumf %get3A_449, %select_n3A_405 : vector<16xf32>
          %add3A_451 = arith.addi %mul3A_342, %min3A_364 : i32
          %swap3A_452 = arith.index_cast %add3A_451 : i32 to index
          %swap3A_453 = tpu.vector_load %arg5[%swap3A_452] {strides = array<i32>} : memref<16384xf32, #tpu.memory_space<vmem>>, vector<16xf32>,
          %swap3A_454 = vector.shape_cast %swap3A_453 : vector<16xf32> to vector<16xf32>
          %swap3A_455 = vector.shape_cast %max3A_450 : vector<16xf32> to vector<16xf32>
          tpu.vector_store %arg5[%swap3A_452], %swap3A_455 {strides = array<i32>} : memref<16384xf32, #tpu.memory_space<vmem>>, vector<16xf32>,
          %add3A_456 = arith.addi %mul3A_344, %min3A_364 : i32
          %get3A_457 = arith.index_cast %add3A_456 : i32 to index
          %get3A_458 = tpu.vector_load %arg5[%get3A_457] {strides = array<i32>} : memref<16384xf32, #tpu.memory_space<vmem>>, vector<16xf32>,
          %get3A_459 = vector.shape_cast %get3A_458 : vector<16xf32> to vector<16xf32>
          %max3A_460 = arith.maximumf %get3A_459, %select_n3A_445 : vector<16xf32>
          %add3A_461 = arith.addi %mul3A_344, %min3A_364 : i32
          %swap3A_462 = arith.index_cast %add3A_461 : i32 to index
          %swap3A_463 = tpu.vector_load %arg5[%swap3A_462] {strides = array<i32>} : memref<16384xf32, #tpu.memory_space<vmem>>, vector<16xf32>,
          %swap3A_464 = vector.shape_cast %swap3A_463 : vector<16xf32> to vector<16xf32>
          %swap3A_465 = vector.shape_cast %max3A_460 : vector<16xf32> to vector<16xf32>
          tpu.vector_store %arg5[%swap3A_462], %swap3A_465 {strides = array<i32>} : memref<16384xf32, #tpu.memory_space<vmem>>, vector<16xf32>,
          %while3A_466 = arith.constant 0 : i32
          scf.yield %while3A_466 : i32
        }
        %while3A_355 = arith.constant 1 : i32
        %while3A_356 = scf.for %while3A_358 = %while3A_352 to %while3A_348 step %while3A_355 iter_args(%while3A_359 = %while3A_354) -> (i32)  : i32 {
          %mul3A_360 = arith.constant 16 : i32
          %mul3A_361 = arith.muli %while3A_358, %mul3A_360 : i32
          %add3A_362 = arith.addi %convert_element_type3A_222, %mul3A_361 : i32
          %min3A_363 = arith.constant 112 : i32
          %min3A_364 = arith.minsi %add3A_362, %min3A_363 : i32
          %get3A_365 = arith.index_cast %min3A_364 : i32 to index
          %get3A_366 = tpu.vector_load %arg6[%get3A_365] {strides = array<i32>} : memref<128xf32, #tpu.memory_space<vmem>>, vector<16xf32>,
          %get3A_367 = vector.shape_cast %get3A_366 : vector<16xf32> to vector<16xf32>
          %sub3A_368 = arith.subf %broadcast_in_dim3A_268, %get3A_367 : vector<16xf32>
          %sub3A_369 = arith.subf %broadcast_in_dim3A_270, %get3A_367 : vector<16xf32>
          %sub3A_370 = arith.subf %broadcast_in_dim3A_272, %get3A_367 : vector<16xf32>
          %mul3A_371 = arith.mulf %sub3A_369, %sub3A_334 : vector<16xf32>
          %mul3A_372 = arith.mulf %sub3A_332, %sub3A_370 : vector<16xf32>
          %sub3A_373 = arith.subf %mul3A_371, %mul3A_372 : vector<16xf32>
          %mul3A_374 = arith.mulf %sub3A_370, %sub3A_330 : vector<16xf32>
          %mul3A_375 = arith.mulf %sub3A_334, %sub3A_368 : vector<16xf32>
          %sub3A_376 = arith.subf %mul3A_374, %mul3A_375 : vector<16xf32>
          %mul3A_377 = arith.mulf %sub3A_368, %sub3A_332 : vector<16xf32>
          %mul3A_378 = arith.mulf %sub3A_330, %sub3A_369 : vector<16xf32>
          %sub3A_379 = arith.subf %mul3A_377, %mul3A_378 : vector<16xf32>
          %add3A_380 = arith.addf %sub3A_373, %sub3A_376 : vector<16xf32>
          %add3A_381 = arith.addf %add3A_380, %sub3A_379 : vector<16xf32>
          %mul3A_382 = arith.mulf %sub3A_373, %sub3A_376 : vector<16xf32>
          %gt3A = arith.constant 0.000000e+00 : f32
          %gt3A_383 = vector.broadcast %gt3A : f32 to vector<16xf32>
          %gt3A_384 = arith.cmpf ogt, %mul3A_382, %gt3A_383 : vector<16xf32>
          %mul3A_385 = arith.mulf %sub3A_373, %sub3A_379 : vector<16xf32>
          %gt3A_386 = arith.constant 0.000000e+00 : f32
          %gt3A_387 = vector.broadcast %gt3A_386 : f32 to vector<16xf32>
          %gt3A_388 = arith.cmpf ogt, %mul3A_385, %gt3A_387 : vector<16xf32>
          %and3A = arith.andi %gt3A_384, %gt3A_388 : vector<16xi1>
          %abs3A = math.absf %add3A_381 : vector<16xf32>
          %lt3A = arith.constant 9.99999996E-13 : f32
          %lt3A_389 = vector.broadcast %lt3A : f32 to vector<16xf32>
          %lt3A_390 = arith.cmpf olt, %abs3A, %lt3A_389 : vector<16xf32>
          %jit3A_391 = arith.constant 1.000000e+00 : f32
          %broadcast_in_dim3A_392 = vector.broadcast %jit3A_391 : f32 to vector<16xf32>
          %select_n3A = arith.select %lt3A_390, %broadcast_in_dim3A_392, %add3A_381 : vector<16xi1>, vector<16xf32>
          %mul3A_393 = arith.mulf %sub3A_373, %div3A_276 : vector<16xf32>
          %mul3A_394 = arith.mulf %sub3A_376, %div3A_280 : vector<16xf32>
          %add3A_395 = arith.addf %mul3A_393, %mul3A_394 : vector<16xf32>
          %mul3A_396 = arith.mulf %sub3A_379, %div3A_284 : vector<16xf32>
          %add3A_397 = arith.addf %add3A_395, %mul3A_396 : vector<16xf32>
          %div3A_398 = arith.divf %add3A_397, %select_n3A : vector<16xf32>
          %lt3A_399 = arith.constant 1.000000e+01 : f32
          %lt3A_400 = vector.broadcast %lt3A_399 : f32 to vector<16xf32>
          %lt3A_401 = arith.cmpf olt, %div3A_398, %lt3A_400 : vector<16xf32>
          %and3A_402 = arith.andi %and3A, %lt3A_401 : vector<16xi1>
          %jit3A_403 = arith.constant 0.00999999977 : f32
          %broadcast_in_dim3A_404 = vector.broadcast %jit3A_403 : f32 to vector<16xf32>
          %select_n3A_405 = arith.select %and3A_402, %div3A_398, %broadcast_in_dim3A_404 : vector<16xi1>, vector<16xf32>
          %mul3A_406 = arith.mulf %sub3A_369, %sub3A_340 : vector<16xf32>
          %mul3A_407 = arith.mulf %sub3A_338, %sub3A_370 : vector<16xf32>
          %sub3A_408 = arith.subf %mul3A_406, %mul3A_407 : vector<16xf32>
          %mul3A_409 = arith.mulf %sub3A_370, %sub3A_336 : vector<16xf32>
          %mul3A_410 = arith.mulf %sub3A_340, %sub3A_368 : vector<16xf32>
          %sub3A_411 = arith.subf %mul3A_409, %mul3A_410 : vector<16xf32>
          %mul3A_412 = arith.mulf %sub3A_368, %sub3A_338 : vector<16xf32>
          %mul3A_413 = arith.mulf %sub3A_336, %sub3A_369 : vector<16xf32>
          %sub3A_414 = arith.subf %mul3A_412, %mul3A_413 : vector<16xf32>
          %add3A_415 = arith.addf %sub3A_408, %sub3A_411 : vector<16xf32>
          %add3A_416 = arith.addf %add3A_415, %sub3A_414 : vector<16xf32>
          %mul3A_417 = arith.mulf %sub3A_408, %sub3A_411 : vector<16xf32>
          %gt3A_418 = arith.constant 0.000000e+00 : f32
          %gt3A_419 = vector.broadcast %gt3A_418 : f32 to vector<16xf32>
          %gt3A_420 = arith.cmpf ogt, %mul3A_417, %gt3A_419 : vector<16xf32>
          %mul3A_421 = arith.mulf %sub3A_408, %sub3A_414 : vector<16xf32>
          %gt3A_422 = arith.constant 0.000000e+00 : f32
          %gt3A_423 = vector.broadcast %gt3A_422 : f32 to vector<16xf32>
          %gt3A_424 = arith.cmpf ogt, %mul3A_421, %gt3A_423 : vector<16xf32>
          %and3A_425 = arith.andi %gt3A_420, %gt3A_424 : vector<16xi1>
          %abs3A_426 = math.absf %add3A_416 : vector<16xf32>
          %lt3A_427 = arith.constant 9.99999996E-13 : f32
          %lt3A_428 = vector.broadcast %lt3A_427 : f32 to vector<16xf32>
          %lt3A_429 = arith.cmpf olt, %abs3A_426, %lt3A_428 : vector<16xf32>
          %jit3A_430 = arith.constant 1.000000e+00 : f32
          %broadcast_in_dim3A_431 = vector.broadcast %jit3A_430 : f32 to vector<16xf32>
          %select_n3A_432 = arith.select %lt3A_429, %broadcast_in_dim3A_431, %add3A_416 : vector<16xi1>, vector<16xf32>
          %mul3A_433 = arith.mulf %sub3A_408, %div3A_276 : vector<16xf32>
          %mul3A_434 = arith.mulf %sub3A_411, %div3A_280 : vector<16xf32>
          %add3A_435 = arith.addf %mul3A_433, %mul3A_434 : vector<16xf32>
          %mul3A_436 = arith.mulf %sub3A_414, %div3A_284 : vector<16xf32>
          %add3A_437 = arith.addf %add3A_435, %mul3A_436 : vector<16xf32>
          %div3A_438 = arith.divf %add3A_437, %select_n3A_432 : vector<16xf32>
          %lt3A_439 = arith.constant 1.000000e+01 : f32
          %lt3A_440 = vector.broadcast %lt3A_439 : f32 to vector<16xf32>
          %lt3A_441 = arith.cmpf olt, %div3A_438, %lt3A_440 : vector<16xf32>
          %and3A_442 = arith.andi %and3A_425, %lt3A_441 : vector<16xi1>
          %jit3A_443 = arith.constant 0.00999999977 : f32
          %broadcast_in_dim3A_444 = vector.broadcast %jit3A_443 : f32 to vector<16xf32>
          %select_n3A_445 = arith.select %and3A_442, %div3A_438, %broadcast_in_dim3A_444 : vector<16xi1>, vector<16xf32>
          %add3A_446 = arith.addi %mul3A_342, %min3A_364 : i32
          %get3A_447 = arith.index_cast %add3A_446 : i32 to index
          %get3A_448 = tpu.vector_load %arg5[%get3A_447] {strides = array<i32>} : memref<16384xf32, #tpu.memory_space<vmem>>, vector<16xf32>,
          %get3A_449 = vector.shape_cast %get3A_448 : vector<16xf32> to vector<16xf32>
          %max3A_450 = arith.maximumf %get3A_449, %select_n3A_405 : vector<16xf32>
          %add3A_451 = arith.addi %mul3A_342, %min3A_364 : i32
          %swap3A_452 = arith.index_cast %add3A_451 : i32 to index
          %swap3A_453 = tpu.vector_load %arg5[%swap3A_452] {strides = array<i32>} : memref<16384xf32, #tpu.memory_space<vmem>>, vector<16xf32>,
          %swap3A_454 = vector.shape_cast %swap3A_453 : vector<16xf32> to vector<16xf32>
          %swap3A_455 = vector.shape_cast %max3A_450 : vector<16xf32> to vector<16xf32>
          tpu.vector_store %arg5[%swap3A_452], %swap3A_455 {strides = array<i32>} : memref<16384xf32, #tpu.memory_space<vmem>>, vector<16xf32>,
          %add3A_456 = arith.addi %mul3A_344, %min3A_364 : i32
          %get3A_457 = arith.index_cast %add3A_456 : i32 to index
          %get3A_458 = tpu.vector_load %arg5[%get3A_457] {strides = array<i32>} : memref<16384xf32, #tpu.memory_space<vmem>>, vector<16xf32>,
          %get3A_459 = vector.shape_cast %get3A_458 : vector<16xf32> to vector<16xf32>
          %max3A_460 = arith.maximumf %get3A_459, %select_n3A_445 : vector<16xf32>
          %add3A_461 = arith.addi %mul3A_344, %min3A_364 : i32
          %swap3A_462 = arith.index_cast %add3A_461 : i32 to index
          %swap3A_463 = tpu.vector_load %arg5[%swap3A_462] {strides = array<i32>} : memref<16384xf32, #tpu.memory_space<vmem>>, vector<16xf32>,
          %swap3A_464 = vector.shape_cast %swap3A_463 : vector<16xf32> to vector<16xf32>
          %swap3A_465 = vector.shape_cast %max3A_460 : vector<16xf32> to vector<16xf32>
          tpu.vector_store %arg5[%swap3A_462], %swap3A_465 {strides = array<i32>} : memref<16384xf32, #tpu.memory_space<vmem>>, vector<16xf32>,
          %while3A_466 = arith.constant 0 : i32
          scf.yield %while3A_466 : i32
        }
        %while3A_357 = arith.constant 0 : i32
        scf.yield %while3A_357 : i32
      }
      %scan3A_301 = arith.constant 0 : i32
      scf.yield %scan3A_301 : i32
    }
    %scan3A_173 = arith.constant 64 : i32
    "tpu.region"() ({
      %run_scoped3A = tpu.sem_alloc : memref<!tpu.dma_semaphore, #tpu.memory_space<semaphore_mem>>
      %dma_start3A = arith.constant 0 : i32
      %dma_start3A_185 = tpu.memref_slice %arg9[%arg1, %dma_start3A] : memref<16x16384xf32, #tpu.memory_space<vmem_shared>> -> memref<1x16384xf32, #tpu.memory_space<vmem_shared>>
      %dma_start3A_186 = tpu.memref_squeeze %dma_start3A_185 : memref<1x16384xf32, #tpu.memory_space<vmem_shared>> -> memref<16384xf32, #tpu.memory_space<vmem_shared>>
      %dma_start3A_187 = arith.constant 0 : i32
      %dma_start3A_188 = tpu.memref_slice %arg9[%arg1, %dma_start3A_187] : memref<16x16384xf32, #tpu.memory_space<vmem_shared>> -> memref<1x16384xf32, #tpu.memory_space<vmem_shared>>
      %dma_start3A_189 = tpu.memref_squeeze %dma_start3A_188 : memref<1x16384xf32, #tpu.memory_space<vmem_shared>> -> memref<16384xf32, #tpu.memory_space<vmem_shared>>
      tpu.enqueue_dma source(%arg5 : memref<16384xf32, #tpu.memory_space<vmem>>) target(%dma_start3A_189 : memref<16384xf32, #tpu.memory_space<vmem_shared>>) target_semaphore(%run_scoped3A : memref<!tpu.dma_semaphore, #tpu.memory_space<semaphore_mem>>)
      %dma_wait3A = arith.constant 0 : i32
      %dma_wait3A_190 = tpu.memref_slice %arg9[%arg1, %dma_wait3A] : memref<16x16384xf32, #tpu.memory_space<vmem_shared>> -> memref<1x16384xf32, #tpu.memory_space<vmem_shared>>
      %dma_wait3A_191 = tpu.memref_squeeze %dma_wait3A_190 : memref<1x16384xf32, #tpu.memory_space<vmem_shared>> -> memref<16384xf32, #tpu.memory_space<vmem_shared>>
      %dma_wait3A_192 = arith.constant 0 : i32
      %dma_wait3A_193 = tpu.memref_slice %arg9[%arg1, %dma_wait3A_192] : memref<16x16384xf32, #tpu.memory_space<vmem_shared>> -> memref<1x16384xf32, #tpu.memory_space<vmem_shared>>
      %dma_wait3A_194 = tpu.memref_squeeze %dma_wait3A_193 : memref<1x16384xf32, #tpu.memory_space<vmem_shared>> -> memref<16384xf32, #tpu.memory_space<vmem_shared>>
      tpu.wait_dma2 semaphore(%run_scoped3A : memref<!tpu.dma_semaphore, #tpu.memory_space<semaphore_mem>>) src(%arg5 : memref<16384xf32, #tpu.memory_space<vmem>>) dst(%dma_wait3A_194 : memref<16384xf32, #tpu.memory_space<vmem_shared>>)
      tpu.yield
    }) : () -> ()
    %barrier3A = arith.constant 0 : index
    tpu.barrier barrier_id(%barrier3A)
    %mul3A_174 = arith.constant 1024 : i32
    %mul3A_175 = arith.muli %arg1, %mul3A_174 : i32
    "tpu.region"() ({
      %run_scoped3A = tpu.sem_alloc : memref<!tpu.dma_semaphore, #tpu.memory_space<semaphore_mem>>
      %dma_start3A = arith.constant 0 : i32
      %dma_start3A_185 = tpu.memref_slice %arg9[%dma_start3A, %mul3A_175] : memref<16x16384xf32, #tpu.memory_space<vmem_shared>> -> memref<16x1024xf32, #tpu.memory_space<vmem_shared>>
      %dma_start3A_186 = arith.constant 0 : i32
      %dma_start3A_187 = tpu.memref_slice %arg9[%dma_start3A_186, %mul3A_175] : memref<16x16384xf32, #tpu.memory_space<vmem_shared>> -> memref<16x1024xf32, #tpu.memory_space<vmem_shared>>
      tpu.enqueue_dma source(%dma_start3A_187 : memref<16x1024xf32, #tpu.memory_space<vmem_shared>>) target(%arg7 : memref<16x1024xf32, #tpu.memory_space<vmem>>) target_semaphore(%run_scoped3A : memref<!tpu.dma_semaphore, #tpu.memory_space<semaphore_mem>>)
      %dma_wait3A = arith.constant 0 : i32
      %dma_wait3A_188 = tpu.memref_slice %arg9[%dma_wait3A, %mul3A_175] : memref<16x16384xf32, #tpu.memory_space<vmem_shared>> -> memref<16x1024xf32, #tpu.memory_space<vmem_shared>>
      %dma_wait3A_189 = arith.constant 0 : i32
      %dma_wait3A_190 = tpu.memref_slice %arg9[%dma_wait3A_189, %mul3A_175] : memref<16x16384xf32, #tpu.memory_space<vmem_shared>> -> memref<16x1024xf32, #tpu.memory_space<vmem_shared>>
      tpu.wait_dma2 semaphore(%run_scoped3A : memref<!tpu.dma_semaphore, #tpu.memory_space<semaphore_mem>>) src(%dma_wait3A_190 : memref<16x1024xf32, #tpu.memory_space<vmem_shared>>) dst(%arg7 : memref<16x1024xf32, #tpu.memory_space<vmem>>)
      tpu.yield
    }) : () -> ()
    %scan3A_176 = arith.constant 0 : i32
    %scan3A_177 = arith.constant 0 : i32
    %scan3A_178 = arith.constant 64 : i32
    %scan3A_179 = arith.addi %scan3A_177, %scan3A_178 : i32
    %scan3A_180 = arith.constant 1 : i32
    %scan3A_181 = scf.for %scan3A_185 = %scan3A_177 to %scan3A_179 step %scan3A_180 iter_args(%scan3A_186 = %scan3A_176) -> (i32)  : i32 {
      %mul3A_187 = arith.constant 16 : i32
      %mul3A_188 = arith.muli %scan3A_185, %mul3A_187 : i32
      %get3A = arith.constant 0 : i32
      %get3A_189 = arith.index_cast %get3A : i32 to index
      %get3A_190 = arith.index_cast %mul3A_188 : i32 to index
      %get3A_191 = tpu.vector_load %arg7[%get3A_189, %get3A_190] {strides = array<i32>} : memref<16x1024xf32, #tpu.memory_space<vmem>>, vector<1x16xf32>,
      %get3A_192 = vector.shape_cast %get3A_191 : vector<1x16xf32> to vector<16xf32>
      %mul3A_193 = arith.constant 16 : i32
      %mul3A_194 = arith.muli %scan3A_185, %mul3A_193 : i32
      %get3A_195 = arith.constant 1 : i32
      %get3A_196 = arith.index_cast %get3A_195 : i32 to index
      %get3A_197 = arith.index_cast %mul3A_194 : i32 to index
      %get3A_198 = tpu.vector_load %arg7[%get3A_196, %get3A_197] {strides = array<i32>} : memref<16x1024xf32, #tpu.memory_space<vmem>>, vector<1x16xf32>,
      %get3A_199 = vector.shape_cast %get3A_198 : vector<1x16xf32> to vector<16xf32>
      %max3A = arith.maximumf %get3A_192, %get3A_199 : vector<16xf32>
      %mul3A_200 = arith.constant 16 : i32
      %mul3A_201 = arith.muli %scan3A_185, %mul3A_200 : i32
      %get3A_202 = arith.constant 2 : i32
      %get3A_203 = arith.index_cast %get3A_202 : i32 to index
      %get3A_204 = arith.index_cast %mul3A_201 : i32 to index
      %get3A_205 = tpu.vector_load %arg7[%get3A_203, %get3A_204] {strides = array<i32>} : memref<16x1024xf32, #tpu.memory_space<vmem>>, vector<1x16xf32>,
      %get3A_206 = vector.shape_cast %get3A_205 : vector<1x16xf32> to vector<16xf32>
      %max3A_207 = arith.maximumf %max3A, %get3A_206 : vector<16xf32>
      %mul3A_208 = arith.constant 16 : i32
      %mul3A_209 = arith.muli %scan3A_185, %mul3A_208 : i32
      %get3A_210 = arith.constant 3 : i32
      %get3A_211 = arith.index_cast %get3A_210 : i32 to index
      %get3A_212 = arith.index_cast %mul3A_209 : i32 to index
      %get3A_213 = tpu.vector_load %arg7[%get3A_211, %get3A_212] {strides = array<i32>} : memref<16x1024xf32, #tpu.memory_space<vmem>>, vector<1x16xf32>,
      %get3A_214 = vector.shape_cast %get3A_213 : vector<1x16xf32> to vector<16xf32>
      %max3A_215 = arith.maximumf %max3A_207, %get3A_214 : vector<16xf32>
      %mul3A_216 = arith.constant 16 : i32
      %mul3A_217 = arith.muli %scan3A_185, %mul3A_216 : i32
      %get3A_218 = arith.constant 4 : i32
      %get3A_219 = arith.index_cast %get3A_218 : i32 to index
      %get3A_220 = arith.index_cast %mul3A_217 : i32 to index
      %get3A_221 = tpu.vector_load %arg7[%get3A_219, %get3A_220] {strides = array<i32>} : memref<16x1024xf32, #tpu.memory_space<vmem>>, vector<1x16xf32>,
      %get3A_222 = vector.shape_cast %get3A_221 : vector<1x16xf32> to vector<16xf32>
      %max3A_223 = arith.maximumf %max3A_215, %get3A_222 : vector<16xf32>
      %mul3A_224 = arith.constant 16 : i32
      %mul3A_225 = arith.muli %scan3A_185, %mul3A_224 : i32
      %get3A_226 = arith.constant 5 : i32
      %get3A_227 = arith.index_cast %get3A_226 : i32 to index
      %get3A_228 = arith.index_cast %mul3A_225 : i32 to index
      %get3A_229 = tpu.vector_load %arg7[%get3A_227, %get3A_228] {strides = array<i32>} : memref<16x1024xf32, #tpu.memory_space<vmem>>, vector<1x16xf32>,
      %get3A_230 = vector.shape_cast %get3A_229 : vector<1x16xf32> to vector<16xf32>
      %max3A_231 = arith.maximumf %max3A_223, %get3A_230 : vector<16xf32>
      %mul3A_232 = arith.constant 16 : i32
      %mul3A_233 = arith.muli %scan3A_185, %mul3A_232 : i32
      %get3A_234 = arith.constant 6 : i32
      %get3A_235 = arith.index_cast %get3A_234 : i32 to index
      %get3A_236 = arith.index_cast %mul3A_233 : i32 to index
      %get3A_237 = tpu.vector_load %arg7[%get3A_235, %get3A_236] {strides = array<i32>} : memref<16x1024xf32, #tpu.memory_space<vmem>>, vector<1x16xf32>,
      %get3A_238 = vector.shape_cast %get3A_237 : vector<1x16xf32> to vector<16xf32>
      %max3A_239 = arith.maximumf %max3A_231, %get3A_238 : vector<16xf32>
      %mul3A_240 = arith.constant 16 : i32
      %mul3A_241 = arith.muli %scan3A_185, %mul3A_240 : i32
      %get3A_242 = arith.constant 7 : i32
      %get3A_243 = arith.index_cast %get3A_242 : i32 to index
      %get3A_244 = arith.index_cast %mul3A_241 : i32 to index
      %get3A_245 = tpu.vector_load %arg7[%get3A_243, %get3A_244] {strides = array<i32>} : memref<16x1024xf32, #tpu.memory_space<vmem>>, vector<1x16xf32>,
      %get3A_246 = vector.shape_cast %get3A_245 : vector<1x16xf32> to vector<16xf32>
      %max3A_247 = arith.maximumf %max3A_239, %get3A_246 : vector<16xf32>
      %mul3A_248 = arith.constant 16 : i32
      %mul3A_249 = arith.muli %scan3A_185, %mul3A_248 : i32
      %get3A_250 = arith.constant 8 : i32
      %get3A_251 = arith.index_cast %get3A_250 : i32 to index
      %get3A_252 = arith.index_cast %mul3A_249 : i32 to index
      %get3A_253 = tpu.vector_load %arg7[%get3A_251, %get3A_252] {strides = array<i32>} : memref<16x1024xf32, #tpu.memory_space<vmem>>, vector<1x16xf32>,
      %get3A_254 = vector.shape_cast %get3A_253 : vector<1x16xf32> to vector<16xf32>
      %max3A_255 = arith.maximumf %max3A_247, %get3A_254 : vector<16xf32>
      %mul3A_256 = arith.constant 16 : i32
      %mul3A_257 = arith.muli %scan3A_185, %mul3A_256 : i32
      %get3A_258 = arith.constant 9 : i32
      %get3A_259 = arith.index_cast %get3A_258 : i32 to index
      %get3A_260 = arith.index_cast %mul3A_257 : i32 to index
      %get3A_261 = tpu.vector_load %arg7[%get3A_259, %get3A_260] {strides = array<i32>} : memref<16x1024xf32, #tpu.memory_space<vmem>>, vector<1x16xf32>,
      %get3A_262 = vector.shape_cast %get3A_261 : vector<1x16xf32> to vector<16xf32>
      %max3A_263 = arith.maximumf %max3A_255, %get3A_262 : vector<16xf32>
      %mul3A_264 = arith.constant 16 : i32
      %mul3A_265 = arith.muli %scan3A_185, %mul3A_264 : i32
      %get3A_266 = arith.constant 10 : i32
      %get3A_267 = arith.index_cast %get3A_266 : i32 to index
      %get3A_268 = arith.index_cast %mul3A_265 : i32 to index
      %get3A_269 = tpu.vector_load %arg7[%get3A_267, %get3A_268] {strides = array<i32>} : memref<16x1024xf32, #tpu.memory_space<vmem>>, vector<1x16xf32>,
      %get3A_270 = vector.shape_cast %get3A_269 : vector<1x16xf32> to vector<16xf32>
      %max3A_271 = arith.maximumf %max3A_263, %get3A_270 : vector<16xf32>
      %mul3A_272 = arith.constant 16 : i32
      %mul3A_273 = arith.muli %scan3A_185, %mul3A_272 : i32
      %get3A_274 = arith.constant 11 : i32
      %get3A_275 = arith.index_cast %get3A_274 : i32 to index
      %get3A_276 = arith.index_cast %mul3A_273 : i32 to index
      %get3A_277 = tpu.vector_load %arg7[%get3A_275, %get3A_276] {strides = array<i32>} : memref<16x1024xf32, #tpu.memory_space<vmem>>, vector<1x16xf32>,
      %get3A_278 = vector.shape_cast %get3A_277 : vector<1x16xf32> to vector<16xf32>
      %max3A_279 = arith.maximumf %max3A_271, %get3A_278 : vector<16xf32>
      %mul3A_280 = arith.constant 16 : i32
      %mul3A_281 = arith.muli %scan3A_185, %mul3A_280 : i32
      %get3A_282 = arith.constant 12 : i32
      %get3A_283 = arith.index_cast %get3A_282 : i32 to index
      %get3A_284 = arith.index_cast %mul3A_281 : i32 to index
      %get3A_285 = tpu.vector_load %arg7[%get3A_283, %get3A_284] {strides = array<i32>} : memref<16x1024xf32, #tpu.memory_space<vmem>>, vector<1x16xf32>,
      %get3A_286 = vector.shape_cast %get3A_285 : vector<1x16xf32> to vector<16xf32>
      %max3A_287 = arith.maximumf %max3A_279, %get3A_286 : vector<16xf32>
      %mul3A_288 = arith.constant 16 : i32
      %mul3A_289 = arith.muli %scan3A_185, %mul3A_288 : i32
      %get3A_290 = arith.constant 13 : i32
      %get3A_291 = arith.index_cast %get3A_290 : i32 to index
      %get3A_292 = arith.index_cast %mul3A_289 : i32 to index
      %get3A_293 = tpu.vector_load %arg7[%get3A_291, %get3A_292] {strides = array<i32>} : memref<16x1024xf32, #tpu.memory_space<vmem>>, vector<1x16xf32>,
      %get3A_294 = vector.shape_cast %get3A_293 : vector<1x16xf32> to vector<16xf32>
      %max3A_295 = arith.maximumf %max3A_287, %get3A_294 : vector<16xf32>
      %mul3A_296 = arith.constant 16 : i32
      %mul3A_297 = arith.muli %scan3A_185, %mul3A_296 : i32
      %get3A_298 = arith.constant 14 : i32
      %get3A_299 = arith.index_cast %get3A_298 : i32 to index
      %get3A_300 = arith.index_cast %mul3A_297 : i32 to index
      %get3A_301 = tpu.vector_load %arg7[%get3A_299, %get3A_300] {strides = array<i32>} : memref<16x1024xf32, #tpu.memory_space<vmem>>, vector<1x16xf32>,
      %get3A_302 = vector.shape_cast %get3A_301 : vector<1x16xf32> to vector<16xf32>
      %max3A_303 = arith.maximumf %max3A_295, %get3A_302 : vector<16xf32>
      %mul3A_304 = arith.constant 16 : i32
      %mul3A_305 = arith.muli %scan3A_185, %mul3A_304 : i32
      %get3A_306 = arith.constant 15 : i32
      %get3A_307 = arith.index_cast %get3A_306 : i32 to index
      %get3A_308 = arith.index_cast %mul3A_305 : i32 to index
      %get3A_309 = tpu.vector_load %arg7[%get3A_307, %get3A_308] {strides = array<i32>} : memref<16x1024xf32, #tpu.memory_space<vmem>>, vector<1x16xf32>,
      %get3A_310 = vector.shape_cast %get3A_309 : vector<1x16xf32> to vector<16xf32>
      %max3A_311 = arith.maximumf %max3A_303, %get3A_310 : vector<16xf32>
      %div3A = arith.constant 1.000000e+00 : f32
      %div3A_312 = vector.broadcast %div3A : f32 to vector<16xf32>
      %div3A_313 = arith.divf %div3A_312, %max3A_311 : vector<16xf32>
      %mul3A_314 = arith.constant 16 : i32
      %mul3A_315 = arith.muli %scan3A_185, %mul3A_314 : i32
      %swap3A_316 = arith.index_cast %mul3A_315 : i32 to index
      %swap3A_317 = tpu.vector_load %arg8[%swap3A_316] {strides = array<i32>} : memref<1024xf32, #tpu.memory_space<vmem>>, vector<16xf32>,
      %swap3A_318 = vector.shape_cast %swap3A_317 : vector<16xf32> to vector<16xf32>
      %swap3A_319 = vector.shape_cast %div3A_313 : vector<16xf32> to vector<16xf32>
      tpu.vector_store %arg8[%swap3A_316], %swap3A_319 {strides = array<i32>} : memref<1024xf32, #tpu.memory_space<vmem>>, vector<16xf32>,
      %scan3A_320 = arith.constant 0 : i32
      scf.yield %scan3A_320 : i32
    }
    %scan3A_182 = arith.constant 64 : i32
    %mul3A_183 = arith.constant 1024 : i32
    %mul3A_184 = arith.muli %arg1, %mul3A_183 : i32
    "tpu.region"() ({
      %run_scoped3A = tpu.sem_alloc : memref<!tpu.dma_semaphore, #tpu.memory_space<semaphore_mem>>
      %dma_start3A = tpu.memref_slice %arg3[%arg0, %mul3A_184] : memref<2x16384xf32, #tpu.memory_space<hbm>> -> memref<1x1024xf32, #tpu.memory_space<hbm>>
      %dma_start3A_185 = tpu.memref_squeeze %dma_start3A : memref<1x1024xf32, #tpu.memory_space<hbm>> -> memref<1024xf32, #tpu.memory_space<hbm>>
      %dma_start3A_186 = tpu.memref_slice %arg3[%arg0, %mul3A_184] : memref<2x16384xf32, #tpu.memory_space<hbm>> -> memref<1x1024xf32, #tpu.memory_space<hbm>>
      %dma_start3A_187 = tpu.memref_squeeze %dma_start3A_186 : memref<1x1024xf32, #tpu.memory_space<hbm>> -> memref<1024xf32, #tpu.memory_space<hbm>>
      tpu.enqueue_dma source(%arg8 : memref<1024xf32, #tpu.memory_space<vmem>>) target(%dma_start3A_187 : memref<1024xf32, #tpu.memory_space<hbm>>) target_semaphore(%run_scoped3A : memref<!tpu.dma_semaphore, #tpu.memory_space<semaphore_mem>>)
      %dma_wait3A = tpu.memref_slice %arg3[%arg0, %mul3A_184] : memref<2x16384xf32, #tpu.memory_space<hbm>> -> memref<1x1024xf32, #tpu.memory_space<hbm>>
      %dma_wait3A_188 = tpu.memref_squeeze %dma_wait3A : memref<1x1024xf32, #tpu.memory_space<hbm>> -> memref<1024xf32, #tpu.memory_space<hbm>>
      %dma_wait3A_189 = tpu.memref_slice %arg3[%arg0, %mul3A_184] : memref<2x16384xf32, #tpu.memory_space<hbm>> -> memref<1x1024xf32, #tpu.memory_space<hbm>>
      %dma_wait3A_190 = tpu.memref_squeeze %dma_wait3A_189 : memref<1x1024xf32, #tpu.memory_space<hbm>> -> memref<1024xf32, #tpu.memory_space<hbm>>
      tpu.wait_dma2 semaphore(%run_scoped3A : memref<!tpu.dma_semaphore, #tpu.memory_space<semaphore_mem>>) src(%arg8 : memref<1024xf32, #tpu.memory_space<vmem>>) dst(%dma_wait3A_190 : memref<1024xf32, #tpu.memory_space<hbm>>)
      tpu.yield
    }) : () -> ()
    return
  }
}

</mosaic_0001>

<sc_bundles>
// kernel: kernel.3.cloned.1.call-start
scs
__scs_entry_jumppad:
0x0: {  	(pc) =	sbr.rel $0x88, $3  }
0x1: {  	(tag) =	ssettag $0x0;
	lr =	simm.s32 $0x1  }
0x2: {  	[smem:$0x3FA0] =	sst lr;
	_ =	strace $0xD0000000  }
0x3: {  	_ = 	snop  }
0x4: {  	_ = 	snop  }
0x5: {  	_ = 	snop  }
0x6: {  	_ = 	snop  }
0x7: {  	_ = 	snop  }
__scs_overlays_trampoline_lowered:
0x8: {  	[smem:$0x3FAF] =	sst s0  }
0x9: {  	[smem:$0x3FB0] =	sst s1  }
0xa: {  	[smem:$0x3FB1] =	sst s2  }
0xb: {  	[smem:$0x3FB2] =	sst s3  }
0xc: {  	[smem:$0x3FB3] =	sst s4  }
0xd: {  	[smem:$0x3FB4] =	sst s5  }
0xe: {  	[smem:$0x3FB5] =	sst s6  }
0xf: {  	[smem:$0x3FB6] =	sst s7  }
0x10: {  	[smem:$0x3FB7] =	sst s8  }
0x11: {  	[smem:$0x3FB8] =	sst s9;
	s0 =	simm.s32 @!p0 $0x0  }
0x12: {  	s1 =	sld [smem:$0x3F9E];
	s0 =	simm.s32 @p0 $0x1  }
0x13: {  	[smem:$0x3FB9] =	sst s0;
	s0 =	simm.s32 @!p1 $0x0  }
0x14: {  	s2 =	sld [smem:$0x3F9D];
	s0 =	simm.s32 @p1 $0x1  }
0x15: {  	[smem:$0x3FBA] =	sst s0;
	s0 =	simm.s32 @!p2 $0x0  }
0x16: {  	s3 =	sld [smem:$0x3FDB];
	s0 =	simm.s32 @p2 $0x1  }
0x17: {  	s4 =	simm.s32 $0x1BF5;
	[smem:$0x3FBC] =	sst s0  }
0x18: {  	s0 =	sld [smem:$0x3F9F];
	_ =	swait.ge [sflag:s4], $0x0  }
0x19: {  	s7 =	sld [smem:$0x3FA0]  }
0x1a: {  	s8 =	sadd.s32 $0xFFFFE003, lr  }
0x1b: {  	s9 =	sadd.s32 $0xFFFFFEF7, lr;
	s5 =	simm.s32 $0xFFFFFFFF;
	p2 =	slt.u32 s8, $0xFFFFF086  }
0x1c: {  	p1 =	slt.u32 s9, $0xF7A;
	s5 =	simm.s32 @!p2 $0x0  }
0x1d: {  	s5 =	simm.s32 @p1 $0x1;
	p0 =	seq.s32 s7, s2  }
0x1e: {  	s7 =	smul.u32 @!p0 $0xF7A, s2;
	p2 =	seq.s32 @!p0 s5, $0x0  }
0x1f: {  	s9 =	smul.u32 $0xF7A, s1;
	s8 =	simm.s32 @!p0 $0x1BF5;
	p2 =	por !p2, p0  }
0x20: {  	[sflag:s8] =	ssyncset.s32 @!p0 $0xFFFFF086;
	s6 =	sadd.s32 @!p0 s3, s7;
	s7 =	simm.s32 @!p0 $0x108  }
0x21: {  	s3 =	sadd.s32 s3, s9;
	s6 =	sadd.s32 @!p0 $0x88, s6;
	s7 =	simm.s32 @p2 $0x1082  }
0x22: {  	[simem:s7], [sflag:s8] =	dma.local @!p0 [hbm:s6], $0xF7A  }
0x23: {  	s9 =	sor.u32 $0xD0000000, s2;
	s6 =	simm.s32 $0x108;
	_ =	swait.ge @!p0 [sflag:s8], $0x0  }
0x24: {  	s3 =	sadd.s32 $0x88, s3;
	s6 =	simm.s32 @!p1 $0x1082;
	[sflag:s4] =	ssyncset.s32 $0xFFFFF086  }
0x25: {  	[simem:s6], [sflag:s4] =	dma.local [hbm:s3], $0xF7A  }
0x26: {  	[smem:$0x3FA0] =	sst s1;
	(tag) =	ssettag s2;
	_ =	strace s9  }
0x27: {  	s1 =	sld [smem:$0x3FB0]  }
0x28: {  	s2 =	sld [smem:$0x3FB1]  }
0x29: {  	s4 =	sld [smem:$0x3FB3]  }
0x2a: {  	p0 =	seq.s32 s5, $0x0;
	s5 =	sld [smem:$0x3FB4]  }
0x2b: {  	s6 =	sld [smem:$0x3FB5]  }
0x2c: {  	s7 =	sld [smem:$0x3FB6]  }
0x2d: {  	s3 =	simm.s32 $0x108;
	s8 =	sld [smem:$0x3FB7]  }
0x2e: {  	s3 =	simm.s32 @!p0 $0x1082;
	s9 =	sld [smem:$0x3FB8]  }
0x2f: {  	lr =	sadd.s32 s0, s3;
	s0 =	sld [smem:$0x3FAF]  }
0x30: {  	s3 =	sld [smem:$0x3FB2]  }
0x31: {  	[smem:$0x3FBB] =	sst s10  }
0x32: {  	s10 =	sld [smem:$0x3FB9];
	_ =	sdelay $0x3  }
0x33: {  	p0 =	seq.s32 s10, $0x1;
	s10 =	sld [smem:$0x3FBB];
	_ =	sdelay $0x3  }
0x34: {  	[smem:$0x3FBB] =	sst s10  }
0x35: {  	s10 =	sld [smem:$0x3FBA];
	_ =	sdelay $0x3  }
0x36: {  	p1 =	seq.s32 s10, $0x1;
	s10 =	sld [smem:$0x3FBB];
	_ =	sdelay $0x3  }
0x37: {  	[smem:$0x3FBB] =	sst s10  }
0x38: {  	s10 =	sld [smem:$0x3FBC]  }
0x39: {  	_ = 	snop;
	(pc) =	sbr.ind lr, $3  }
0x3a: {  	_ = 	snop  }
0x3b: {  	_ = 	snop  }
0x3c: {  	p2 =	seq.s32 s10, $0x1;
	s10 =	sld [smem:$0x3FBB]  }
0x3d: {  	_ =	shalt  }
0x3e: {  	_ =	shalt  }
0x3f: {  	_ =	shalt  }
0x40: {  	_ =	shalt  }
0x41: {  	_ =	shalt  }
0x42: {  	_ =	shalt  }
0x43: {  	_ =	shalt  }
0x44: {  	_ =	shalt  }
0x45: {  	_ =	shalt  }
0x46: {  	_ =	shalt  }
0x47: {  	_ =	shalt  }
0x48: {  	_ =	shalt  }
0x49: {  	_ =	shalt  }
0x4a: {  	_ =	shalt  }
0x4b: {  	_ =	shalt  }
0x4c: {  	_ =	shalt  }
0x4d: {  	_ =	shalt  }
0x4e: {  	_ =	shalt  }
0x4f: {  	_ =	shalt  }
0x50: {  	_ =	shalt  }
0x51: {  	_ =	shalt  }
0x52: {  	_ =	shalt  }
0x53: {  	_ =	shalt  }
0x54: {  	_ =	shalt  }
0x55: {  	_ =	shalt  }
0x56: {  	_ =	shalt  }
0x57: {  	_ =	shalt  }
0x58: {  	_ =	shalt  }
0x59: {  	_ =	shalt  }
0x5a: {  	_ =	shalt  }
0x5b: {  	_ =	shalt  }
0x5c: {  	_ =	shalt  }
0x5d: {  	_ =	shalt  }
0x5e: {  	_ =	shalt  }
0x5f: {  	_ =	shalt  }
0x60: {  	_ =	shalt  }
0x61: {  	_ =	shalt  }
0x62: {  	_ =	shalt  }
0x63: {  	_ =	shalt  }
0x64: {  	_ =	shalt  }
0x65: {  	_ =	shalt  }
0x66: {  	_ =	shalt  }
0x67: {  	_ =	shalt  }
0x68: {  	_ =	shalt  }
0x69: {  	_ =	shalt  }
0x6a: {  	_ =	shalt  }
0x6b: {  	_ =	shalt  }
0x6c: {  	_ =	shalt  }
0x6d: {  	_ =	shalt  }
0x6e: {  	_ =	shalt  }
0x6f: {  	_ =	shalt  }
0x70: {  	_ =	shalt  }
0x71: {  	_ =	shalt  }
0x72: {  	_ =	shalt  }
0x73: {  	_ =	shalt  }
0x74: {  	_ =	shalt  }
0x75: {  	_ =	shalt  }
0x76: {  	_ =	shalt  }
0x77: {  	_ =	shalt  }
0x78: {  	_ =	shalt  }
0x79: {  	_ =	shalt  }
0x7a: {  	_ =	shalt  }
0x7b: {  	_ =	shalt  }
0x7c: {  	_ =	shalt  }
0x7d: {  	_ =	shalt  }
0x7e: {  	_ =	shalt  }
0x7f: {  	_ =	shalt  }
0x80: {  	_ =	shalt  }
0x81: {  	_ =	shalt  }
0x82: {  	_ =	shalt  }
0x83: {  	_ =	shalt  }
0x84: {  	_ =	shalt  }
0x85: {  	_ =	shalt  }
0x86: {  	_ =	shalt  }
0x87: {  	_ =	shalt  }
.Lfunc_end0:
.L_simem_size_0:
called_computation_lowered:
.L_overlay_start_0:
0x88: {  	s2 =	sld [smem:$0x3FD9]  }
0x89: {  	s3 =	sld [smem:$0x3FFE];
	_ =	sdelay $0x1  }
0x8a: {  	s1 =	srdreg.scid  }
0x8b: {  	s0 =	sand.u32 $0x1, s1  }
0x8c: {  	s17 =	sshll.u32 s0, $0xA;
	s2 =	sadd.s32 s3, s2  }
0x8d: {  	s2 =	sadd.s32 s2, s17  }
0x8e: {  	[smem:$0x3FC7] =	sst s2  }
0x8f: {  	_ = 	snop  }
0x90: {  	s2 =	sld [smem:$0x3FD0];
	(tm) =	ssettm $0x1  }
0x91: {  	s18 =	sld [smem:$0x3FFB];
	_ =	sdelay $0x3  }
0x92: {  	_ =	strace s18  }
0x93: {  	s3 =	sld [smem:$0x3FFC];
	_ =	sdelay $0x3  }
0x94: {  	_ =	strace s3  }
0x95: {  	s3 =	sld [smem:$0x3FFD];
	_ =	sdelay $0x3  }
0x96: {  	_ =	strace s3  }
0x97: {  	_ =	strace $0x8FFFFFFF  }
0x98: {  	s19 =	sld [smem:$0x3FDB];
	_ =	sdelay $0x1  }
0x99: {  	s4 =	simm.s32 $_scs_section_size  }
0x9a: {  	s5 =	simm.s32 $_size__tile_overlayer_lowered;
	s6 =	simm.s32 $_tile_overlayer_lowered  }
0x9b: {  	s22 =	simm.s32 $0x1BFF;
	s21 =	sshll.u32 s6, $0x1;
	s3 =	sadd.s32 s4, s19  }
0x9c: {  	s7 =	simm.s32 $0x0;
	s20 =	sshll.u32 s5, $0x1;
	s5 =	sadd.s32 s21, s3  }
0x9d: {  	[timem:s7], [sflag:s22] =	dma.local [hbm:s5], s20  }
0x9e: {  	_ =	swait.ge [sflag:s22], s20  }
0x9f: {  	s4 =	ssub.s32 $0x0, s20;
	[sflag:s22] =	ssyncset.done $0x0  }
0xa0: {  	[sflag:s22] =	ssyncadd.s32 s4;
	_ =	sdelay $0x1  }
0xa1: {  	s23 =	simm.s32 $0x1B8B  }
0xa2: {  	_ =	swait.ge [sflag:s23], $0x1  }
0xa3: {  	[sflag:s23] =	ssyncset.done $0x0  }
0xa4: {  	s25 =	simm.s32 $0x1B8E;
	s24 =	sld [smem:$0x3FFE];
	[sflag:s23] =	ssyncadd.s32 $0xFFFFFFFF  }
0xa5: {  	s26 =	simm.s32 $execute0_lowered;
	[smem:$0x3FD2] =	sst s25  }
0xa6: {  	s5 =	sshll.u32 s26, $0x1;
	_ =	strace $0x80000046;
	[dreg:$0x1] =	wrdreg $0xFFFFFFFF  }
0xa7: {  	s28 =	simm.s32 $_size_execute0_lowered;
	s3 =	sadd.s32 s3, s5;
	[dreg:$0x0] =	wrdreg $0x0  }
0xa8: {  	s5 =	sshll.u32 s28, $0x1;
	[dreg:$0x2] =	wrdreg s3  }
0xa9: {  	[dreg:$0x3] =	wrdreg s5  }
0xaa: {  	[dreg:$0x4] =	wrdreg $0xC0  }
0xab: {  	_ =	task [dreg:s7], $0x5FFFF  }
0xac: {  	[dreg:$0x1] =	wrdreg $0xFFFFFFFF  }
0xad: {  	[dreg:$0x0] =	wrdreg $0x60  }
0xae: {  	[dreg:$0x2] =	wrdreg s2  }
0xaf: {  	[dreg:$0x3] =	wrdreg s24  }
0xb0: {  	[dreg:$0x4] =	wrdreg $0x87000  }
0xb1: {  	[dreg:$0x5] =	wrdreg $0x9  }
0xb2: {  	_ =	task.clear_ibuf [dreg:s7], $0x6FFFF;
	_ =	strace $0x90000046  }
0xb3: {  	s29 =	simm.s32 $0x9;
	_ =	strace $0x80000048  }
0xb4: {  	_ =	swait.ge [sflag:s29], $0x1  }
0xb5: {  	[sflag:s29] =	ssyncadd.s32 $0xFFFFFFFF  }
0xb6: {  	_ =	strace $0x90000048  }
0xb7: {  	_ =	sfence  }
0xb8: {  	s30 =	sld [smem:$0x0];
	_ =	sdelay $0x2  }
0xb9: {  	s31 =	sshll.u32 s1, $0xD;
	s1 =	sshrl.u32 s1, $0x2  }
0xba: {  	s3 =	sand.u32 $0x4000, s31;
	s1 =	sadd.s32 s1, s30  }
0xbb: {  	s0 =	sor.u32 s3, s0;
	s1 =	sshll.u32 s1, $0x11  }
0xbc: {  	s0 =	sor.u32 s1, s0  }
0xbd: {  	s0 =	sadd.s32 $0x8F2B, s0  }
0xbe: {  	[sflag:s0] =	ssyncadd.remote.s32 $0x1  }
0xbf: {  	_ =	sfence.sel $0xFFFF  }
0xc0: {  	[dreg:$0x0] =	wrdreg $0xFFFFFFFF;
	(pc) =	sbr.abs _section_cstart, $3  }
0xc1: {  	[dreg:$0x1] =	wrdreg $0xFFFFFFFF  }
0xc2: {  	_ =	task.clear_ibuf [dreg:s7], $0x2FFFF;
	_ =	strace $0x9FFFFFFF  }
0xc3: {  	(tm) =	ssettm $0x7FFFFFFF  }
tec
execute0_lowered:
.L_overlay_start_1:
0x0: {  	(tag) =	ssettag $0x1  }
0x1: {  	v0 =	vimm.f32 $-7.578125000e-01;
	vm14 =	vcmask $0x300;
	v1 =	vimm.f32 $-5.078125000e-01  }
0x2: {  	vm13 =	vcmask $0x704;
	vm12 =	vcmask $0xB08;
	vm11 =	vcmask $0xF0C  }
0x3: {  	vm10 =	vcmask $0x1310;
	vm9 =	vcmask $0x1714;
	vm8 =	vcmask $0x1B18  }
0x4: {  	vm7 =	vcmask $0x1F1C;
	vm6 =	vcmask $0x2320;
	vm5 =	vcmask $0x2724  }
0x5: {  	vm4 =	vcmask $0x2B28;
	vm2 =	vcmask $0x2F2C;
	vm3 =	vcmask $0x3330  }
0x6: {  	vm1 =	vcmask $0x3734;
	vm0 =	vcmask $0x3B38;
	v2 =	vimm.f32 $-2.578125000e-01  }
0x7: {  	v3 =	vimm.f32 $-7.812500000e-03;
	v4 =	vimm.f32 $2.421875000e-01;
	v5 =	vimm.f32 $4.921875000e-01  }
0x8: {  	v6 =	vimm.f32 $7.421875000e-01;
	v7 =	vimm.f32 $9.921875000e-01;
	v8 =	vimm.f32 $9.999999770e-03  }
0x9: {  	v0 =	vsel vm14, $0xBF7E0000, v0;
	v1 =	vsel vm14, $0xBF3E0000, v1;
	v2 =	vsel vm14, $0xBEFC0000, v2  }
0xa: {  	v3 =	vsel vm14, $0xBE780000, v3;
	v4 =	vsel vm14, $0x3C000000, v4;
	v5 =	vsel vm14, $0x3E840000, v5  }
0xb: {  	v6 =	vsel vm14, $0x3F020000, v6;
	v7 =	vsel vm14, $0x3F420000, v7;
	v0 =	vsel vm13, $0xBF7A0000, v0  }
0xc: {  	v1 =	vsel vm13, $0xBF3A0000, v1;
	v2 =	vsel vm13, $0xBEF40000, v2;
	v3 =	vsel vm13, $0xBE680000, v3  }
0xd: {  	v4 =	vsel vm13, $0x3CC00000, v4;
	v5 =	vsel vm13, $0x3E8C0000, v5;
	v6 =	vsel vm13, $0x3F060000, v6  }
0xe: {  	v7 =	vsel vm13, $0x3F460000, v7;
	v0 =	vsel vm12, $0xBF760000, v0;
	v1 =	vsel vm12, $0xBF360000, v1  }
0xf: {  	v2 =	vsel vm12, $0xBEEC0000, v2;
	v3 =	vsel vm12, $0xBE580000, v3;
	v4 =	vsel vm12, $0x3D200000, v4  }
0x10: {  	v5 =	vsel vm12, $0x3E940000, v5;
	v6 =	vsel vm12, $0x3F0A0000, v6;
	v7 =	vsel vm12, $0x3F4A0000, v7  }
0x11: {  	v0 =	vsel vm11, $0xBF720000, v0;
	v1 =	vsel vm11, $0xBF320000, v1;
	v2 =	vsel vm11, $0xBEE40000, v2  }
0x12: {  	v3 =	vsel vm11, $0xBE480000, v3;
	v4 =	vsel vm11, $0x3D600000, v4;
	v5 =	vsel vm11, $0x3E9C0000, v5  }
0x13: {  	v6 =	vsel vm11, $0x3F0E0000, v6;
	v7 =	vsel vm11, $0x3F4E0000, v7;
	v0 =	vsel vm10, $0xBF6E0000, v0  }
0x14: {  	v1 =	vsel vm10, $0xBF2E0000, v1;
	v2 =	vsel vm10, $0xBEDC0000, v2;
	v3 =	vsel vm10, $0xBE380000, v3  }
0x15: {  	v4 =	vsel vm10, $0x3D900000, v4;
	v5 =	vsel vm10, $0x3EA40000, v5;
	v6 =	vsel vm10, $0x3F120000, v6  }
0x16: {  	v7 =	vsel vm10, $0x3F520000, v7;
	v0 =	vsel vm9, $0xBF6A0000, v0;
	v1 =	vsel vm9, $0xBF2A0000, v1  }
0x17: {  	v2 =	vsel vm9, $0xBED40000, v2;
	v3 =	vsel vm9, $0xBE280000, v3;
	v4 =	vsel vm9, $0x3DB00000, v4  }
0x18: {  	v5 =	vsel vm9, $0x3EAC0000, v5;
	v6 =	vsel vm9, $0x3F160000, v6;
	v7 =	vsel vm9, $0x3F560000, v7  }
0x19: {  	v0 =	vsel vm8, $0xBF660000, v0;
	v1 =	vsel vm8, $0xBF260000, v1;
	v2 =	vsel vm8, $0xBECC0000, v2  }
0x1a: {  	v3 =	vsel vm8, $0xBE180000, v3;
	v4 =	vsel vm8, $0x3DD00000, v4;
	v5 =	vsel vm8, $0x3EB40000, v5  }
0x1b: {  	v6 =	vsel vm8, $0x3F1A0000, v6;
	v7 =	vsel vm8, $0x3F5A0000, v7;
	v0 =	vsel vm7, $0xBF620000, v0  }
0x1c: {  	v1 =	vsel vm7, $0xBF220000, v1;
	v2 =	vsel vm7, $0xBEC40000, v2;
	v3 =	vsel vm7, $0xBE080000, v3  }
0x1d: {  	v4 =	vsel vm7, $0x3DF00000, v4;
	v5 =	vsel vm7, $0x3EBC0000, v5;
	v6 =	vsel vm7, $0x3F1E0000, v6  }
0x1e: {  	v7 =	vsel vm7, $0x3F5E0000, v7;
	v0 =	vsel vm6, $0xBF5E0000, v0;
	v1 =	vsel vm6, $0xBF1E0000, v1  }
0x1f: {  	v2 =	vsel vm6, $0xBEBC0000, v2;
	v3 =	vsel vm6, $0xBDF00000, v3;
	v4 =	vsel vm6, $0x3E080000, v4  }
0x20: {  	v5 =	vsel vm6, $0x3EC40000, v5;
	v6 =	vsel vm6, $0x3F220000, v6;
	v7 =	vsel vm6, $0x3F620000, v7  }
0x21: {  	v0 =	vsel vm5, $0xBF5A0000, v0;
	v1 =	vsel vm5, $0xBF1A0000, v1;
	v2 =	vsel vm5, $0xBEB40000, v2  }
0x22: {  	s3 =	rddreg [dreg:$0x0];
	v3 =	vsel vm5, $0xBDD00000, v3;
	v4 =	vsel vm5, $0x3E180000, v4;
	v5 =	vsel vm5, $0x3ECC0000, v5  }
0x23: {  	s4 =	rddreg [dreg:$0x1];
	v6 =	vsel vm5, $0x3F260000, v6;
	v7 =	vsel vm5, $0x3F660000, v7;
	v0 =	vsel vm4, $0xBF560000, v0  }
0x24: {  	s5 =	rddreg [dreg:$0x2];
	s2 =	srdreg.scid;
	v1 =	vsel vm4, $0xBF160000, v1;
	v2 =	vsel vm4, $0xBEAC0000, v2;
	v3 =	vsel vm4, $0xBDB00000, v3  }
0x25: {  	s0 =	rddreg [dreg:$0x3];
	s1 =	simm.s32 $0x0;
	s11 =	simm.s32 $0x280;
	v4 =	vsel vm4, $0x3E280000, v4;
	v5 =	vsel vm4, $0x3ED40000, v5;
	v6 =	vsel vm4, $0x3F2A0000, v6  }
0x26: {  	s12 =	simm.s32 $0x2000;
	s13 =	simm.s32 $0x20000;
	s14 =	simm.s32 $0x4300;
	v7 =	vsel vm4, $0x3F6A0000, v7;
	v0 =	vsel vm2, $0xBF520000, v0;
	v1 =	vsel vm2, $0xBF120000, v1  }
0x27: {  	s15 =	simm.s32 $0x100;
	s16 =	simm.s32 $0x8300;
	s17 =	simm.s32 $0x0;
	v2 =	vsel vm2, $0xBEA40000, v2;
	v3 =	vsel vm2, $0xBD900000, v3;
	v4 =	vsel vm2, $0x3E380000, v4  }
0x28: {  	s6 =	sand.u32 $0x1, s2;
	[smem:$0x7FF] =	sst s1;
	s2 =	stileid.u32;
	v5 =	vsel vm2, $0x3EDC0000, v5;
	v6 =	vsel vm2, $0x3F2E0000, v6;
	v7 =	vsel vm2, $0x3F6E0000, v7  }
0x29: {  	s7 =	sshll.u32 s6, $0x4;
	_ =	strace $0x80000047;
	s6 =	ssub.s32 $0x2, s6;
	v0 =	vsel vm3, $0xBF4E0000, v0;
	v1 =	vsel vm3, $0xBF0E0000, v1;
	v2 =	vsel vm3, $0xBE9C0000, v2  }
0x2a: {  	s28 =	sshll.u32 s2, $0xE;
	s29 =	sshll.u32 s2, $0x7;
	s30 =	sshll.u32 s2, $0x8;
	v3 =	vsel vm3, $0xBD600000, v3;
	v4 =	vsel vm3, $0x3E480000, v4;
	v5 =	vsel vm3, $0x3EE40000, v5  }
0x2b: {  	s10 =	sshll.u32 s2, $0xD;
	s8 =	sor.u32 s2, s7;
	s7 =	sadd.s32 s7, s4;
	v6 =	vsel vm3, $0x3F320000, v6;
	v7 =	vsel vm3, $0x3F720000, v7;
	v0 =	vsel vm1, $0xBF4A0000, v0  }
0x2c: {  	s26 =	sshrl.u32 s6, $0x1;
	s4 =	sand.u32 $0x20000, s28;
	s8 =	smul.u32 $0x48, s8;
	v1 =	vsel vm1, $0xBF0A0000, v1;
	v2 =	vsel vm1, $0xBE940000, v2;
	v3 =	vsel vm1, $0xBD200000, v3  }
0x2d: {  	s9 =	ssub.s32 s6, s26;
	s6 =	sand.u32 $0x380, s29;
	s4 =	sadd.s32 s4, s5;
	v4 =	vsel vm1, $0x3E580000, v4;
	v5 =	vsel vm1, $0x3EEC0000, v5;
	v6 =	vsel vm1, $0x3F360000, v6  }
0x2e: {  	s5 =	sadd.s32 s10, s5;
	s31 =	sadd.s32 s30, s7;
	s10 =	simm.s32 $0x400;
	v7 =	vsel vm1, $0x3F760000, v7;
	v0 =	vsel vm0, $0xBF460000, v0;
	v1 =	vsel vm0, $0xBF060000, v1  }
0x2f: {  	s4 =	sadd.s32 s6, s4;
	s6 =	sadd.s32 $0x400, s31;
	s7 =	smax.u32 s9, $0x1;
	v2 =	vsel vm0, $0xBE8C0000, v2;
	v3 =	vsel vm0, $0xBCC00000, v3;
	v4 =	vsel vm0, $0x3E680000, v4  }
0x30: {  	s9 =	simm.s32 $0x80;
	s3 =	sadd.s32 s3, s8;
	s8 =	simm.s32 $0x1;
	v5 =	vsel vm0, $0x3EF40000, v5;
	v6 =	vsel vm0, $0x3F3A0000, v6;
	v7 =	vsel vm0, $0x3F7A0000, v7  }
.LBB2_1:
0x31: {  	[tilespmem:s1], [sflag:$0x1] =	stream.linear.gather [hbm4b:s3+s1], $0x248, $0x38;
	[tilespmem:$0xC700] =	vst v63  }
0x32: {  	_ =	swait.ge [sflag:s8], $0x248  }
0x33: {  	[sflag:s8] =	ssyncset.done $0x0  }
0x34: {  	[sflag:s8] =	ssyncadd.s32 $0xFFFFFDB8  }
0x35: {  	[tilespmem:$0x4280] =	vst v0  }
0x36: {  	[tilespmem:$0x4290] =	vst v1  }
0x37: {  	[tilespmem:$0x42A0] =	vst v2  }
0x38: {  	[tilespmem:$0x42B0] =	vst v3  }
0x39: {  	[tilespmem:$0x42C0] =	vst v4  }
0x3a: {  	[tilespmem:$0x42D0] =	vst v5  }
0x3b: {  	[tilespmem:$0x42E0] =	vst v6  }
0x3c: {  	s18 =	simm.s32 $0x0;
	s19 =	simm.s32 $0x200;
	[tilespmem:$0x42F0] =	vst v7  }
.LBB2_2:
0x3d: {  	p0 =	sne.s32 s19, $0xFE00;
	[tilespmem:s18+$0x2F0] =	vst v8  }
0x3e: {  	[tilespmem:s18+$0x280] =	vst v8  }
0x3f: {  	[tilespmem:s18+$0x290] =	vst v8  }
.Ltmp0:
0x40: {  	[tilespmem:s18+$0x2A0] =	vst v8;
	(pc) =	sbr.rel @p0 .LBB2_2-.Ltmp0, $4  }
0x41: {  	[tilespmem:s18+$0x2B0] =	vst v8  }
0x42: {  	[tilespmem:s18+$0x2C0] =	vst v8  }
0x43: {  	[tilespmem:s18+$0x2D0] =	vst v8  }
0x44: {  	[tilespmem:s18+$0x2E0] =	vst v8;
	s18 =	sshra.s32 s19, $0x2;
	s19 =	sadd.s32 $0x200, s19  }
0x45: {  	[tilespmem:s18+$0x2F0] =	vst v8  }
0x46: {  	[tilespmem:s18+$0x280] =	vst v8  }
0x47: {  	[tilespmem:s18+$0x290] =	vst v8  }
.Ltmp1:
0x48: {  	[tilespmem:s18+$0x2A0] =	vst v8;
	(pc) =	sbr.rel .LBB2_4-.Ltmp1, $4  }
0x49: {  	[tilespmem:s18+$0x2B0] =	vst v8  }
0x4a: {  	[tilespmem:s18+$0x2C0] =	vst v8  }
0x4b: {  	[tilespmem:s18+$0x2D0] =	vst v8  }
0x4c: {  	[tilespmem:s18+$0x2E0] =	vst v8;
	s18 =	simm.s32 $0x0  }
.LBB2_9:
0x4d: {  	s18 =	sadd.s32 $0x1, s18  }
0x4e: {  	p0 =	sne.s32 s18, $0x40  }
.Ltmp2:
0x4f: {  	_ = 	snop;
	(pc) =	sbr.rel @!p0 .LBB2_10-.Ltmp2, $1  }
0x50: {  	_ =	sdelay $0x3  }
.LBB2_4:
0x51: {  	s19 =	smul.u32 $0x24, s18;
	_ =	sdelay $0x1  }
0x52: {  	s19 =	sshra.s32 s19, $0x2  }
0x53: {  	v17 =	vld [tilespmem:s19+$0x0];
	_ =	sdelay $0x4  }
0x54: {  	(v2sf) =	vpush v17, $0x0  }
0x55: {  	(v2sf) =	vpush v17, $0x1  }
0x56: {  	(v2sf) =	vpush v17, $0x3  }
0x57: {  	(v2sf) =	vpush v17, $0x4;
	_ =	sdelay $0x1  }
0x58: {  	(v2sf) =	vpush v17, $0x6  }
0x59: {  	(v2sf) =	vpush v17, $0x7;
	_ =	sdelay $0x8  }
0x5a: {  	s31 =	spop (v2sf)  }
0x5b: {  	s20 =	spop (v2sf)  }
0x5c: {  	s21 =	spop (v2sf)  }
0x5d: {  	s22 =	spop (v2sf)  }
0x5e: {  	s24 =	smin.f32 s31, s21;
	s19 =	smax.f32 s31, s21  }
0x5f: {  	s23 =	spop (v2sf);
	s26 =	smax.f32 s20, s22  }
0x60: {  	s20 =	smin.f32 s20, s22;
	s25 =	spop (v2sf)  }
0x61: {  	s24 =	smin.f32 s24, s23;
	s21 =	smax.f32 s26, s25  }
0x62: {  	s19 =	smax.f32 s19, s23;
	s21 =	sadd.f32 $1.000000000e+00, s21  }
0x63: {  	s20 =	smin.f32 s20, s25;
	s28 =	sadd.f32 $1.000000000e+00, s24  }
0x64: {  	s19 =	sadd.f32 $1.000000000e+00, s19;
	s21 =	smul.f32 $6.400000000e+01, s21  }
0x65: {  	s20 =	sadd.f32 $1.000000000e+00, s20;
	s22 =	smul.f32 $6.400000000e+01, s28  }
0x66: {  	s19 =	smul.f32 $6.400000000e+01, s19;
	s21 =	sadd.f32 $-5.000000000e-01, s21  }
0x67: {  	s20 =	smul.f32 $6.400000000e+01, s20;
	s22 =	sadd.f32 $-5.000000000e-01, s22  }
0x68: {  	s19 =	sadd.f32 $-5.000000000e-01, s19;
	s21 =	smax.f32 s21, $-2.000000000e+00  }
0x69: {  	s20 =	sadd.f32 $-5.000000000e-01, s20;
	s21 =	smin.f32 s21, $1.270000000e+02  }
0x6a: {  	s19 =	smax.f32 s19, $-2.000000000e+00;
	s21 =	scvt.f32.s32 s21  }
0x6b: {  	s19 =	smin.f32 s19, $1.270000000e+02;
	s20 =	smax.f32 s20, $0.0e+00  }
0x6c: {  	v9 =	vbroadcast v17, $0x2;
	s29 =	scvt.f32.s32 s19;
	s30 =	smin.f32 s20, $1.270000000e+02;
	s21 =	sadd.s32 $0x1, s21  }
0x6d: {  	v10 =	vbroadcast v17, $0x5;
	s31 =	smax.f32 s22, $0.0e+00;
	s19 =	scvt.f32.s32 s30;
	p0 =	slt.s32 s21, $0x7F  }
0x6e: {  	(erf) = vrcp.f32 v9;
	v9 =	vbroadcast v17, $0x8;
	s20 =	smin.f32 s31, $1.270000000e+02;
	s22 =	sadd.s32 $0x1, s29;
	s21 =	simm.s32 @!p0 $0x7F  }
0x6f: {  	(erf) = vrcp.f32 v10;
	s20 =	scvt.f32.s32 s20;
	p0 =	slt.s32 s22, $0x7F;
	s21 =	ssub.s32 s21, s19  }
0x70: {  	(erf) = vrcp.f32 v9;
	s22 =	simm.s32 @!p0 $0x7F;
	s21 =	sadd.s32 $0x2, s21  }
0x71: {  	s22 =	ssub.s32 s22, s20;
	s21 =	sshra.s32 s21, $0x1  }
0x72: {  	s22 =	sshra.s32 s22, $0x4;
	p0 =	slt.s32 s21, $0x1  }
0x73: {  	p1 =	slt.s32 @!p0 s22, $0x0  }
0x74: {  	p0 =	por p0, p1  }
.Ltmp3:
0x75: {  	_ = 	snop;
	(pc) =	sbr.rel @p0 .LBB2_9-.Ltmp3, $4  }
0x76: {  	_ = 	snop  }
0x77: {  	v9 =	vpop (erf)  }
0x78: {  	v10 =	vpop (erf)  }
0x79: {  	v11 =	vpop (erf)  }
0x7a: {  	v12 =	vbroadcast v17, $0x0;
	v13 =	vbroadcast v17, $0x1  }
0x7b: {  	v14 =	vbroadcast v17, $0x3;
	v15 =	vbroadcast v17, $0x4  }
0x7c: {  	v16 =	vbroadcast v17, $0x6;
	v17 =	vbroadcast v17, $0x7;
	s22 =	sadd.s32 $0x1, s22;
	s23 =	simm.s32 $0x0  }
.LBB2_6:
0x7d: {  	s24 =	sshll.u32 s23, $0x1  }
0x7e: {  	s25 =	sadd.s32 s19, s24  }
0x7f: {  	s26 =	sadd.s32 $0x1, s25;
	s24 =	scvt.s32.f32 s25  }
0x80: {  	p0 =	slt.s32 s26, $0x7F  }
0x81: {  	s26 =	simm.s32 @!p0 $0x7F;
	s24 =	sadd.f32 s24, s24  }
0x82: {  	s28 =	scvt.s32.f32 s26  }
0x83: {  	s24 =	sadd.f32 $1.000000000e+00, s24  }
0x84: {  	s28 =	sadd.f32 s28, s28  }
0x85: {  	p0 =	slt.s32 s20, $0x70;
	s29 =	sadd.f32 $-1.280000000e+02, s24;
	s24 =	smov.u32 s20  }
0x86: {  	s24 =	simm.s32 @!p0 $0x70  }
0x87: {  	s28 =	sadd.f32 $1.000000000e+00, s28;
	s29 =	smul.f32 $7.812500000e-03, s29;
	v18 =	vld [tilespmem:s24+$0x4280]  }
0x88: {  	_ = 	snop  }
0x89: {  	s28 =	sadd.f32 $-1.280000000e+02, s28;
	v19 =	vmov s29  }
0x8a: {  	v20 =	vsub.f32 v13, v19  }
0x8b: {  	s26 =	sshll.u32 s26, $0x9;
	s28 =	smul.f32 $7.812500000e-03, s28;
	v21 =	vsub.f32 v15, v19;
	v23 =	vsub.f32 v17, v19  }
0x8c: {  	s26 =	sshra.s32 s26, $0x2;
	v30 =	vsub.f32 v16, v18;
	v29 =	vsub.f32 v14, v18  }
0x8d: {  	v19 =	vmov s28;
	v31 =	vsub.f32 v12, v18;
	v18 =	vmov s26  }
0x8e: {  	v24 =	vsub.f32 v15, v19;
	v26 =	vmul.f32 v30, v20;
	v27 =	vmul.f32 v29, v23  }
0x8f: {  	s25 =	sshll.u32 s25, $0x9;
	p0 =	sne.s32 s22, $0x1;
	v25 =	vsub.f32 v17, v19;
	v28 =	vmul.f32 v31, v21;
	v32 =	vmul.f32 v30, v21  }
.Ltmp4:
0x90: {  	s25 =	sshra.s32 s25, $0x2;
	v22 =	vsub.f32 v13, v19;
	v33 =	vmul.f32 v31, v23;
	v35 =	vmul.f32 v29, v20;
	(pc) =	sbr.rel @!p0 .LBB2_8-.Ltmp4, $4  }
0x91: {  	v19 =	vmov s25;
	v34 =	vmul.f32 v30, v24;
	v36 =	vmul.f32 v29, v25  }
0x92: {  	v27 =	vsub.f32 v27, v32;
	v32 =	vsub.f32 v26, v33;
	v33 =	vmul.f32 v31, v25  }
0x93: {  	v28 =	vsub.f32 v28, v35;
	v31 =	vmul.f32 v31, v24;
	v26 =	vsub.f32 v36, v34  }
0x94: {  	s26 =	smov.u32 s20;
	s25 =	sadd.s32 $0xFFFFFFFF, s22;
	v36 =	vadd.f32 v32, v27;
	v34 =	vmul.f32 v27, v9;
	v35 =	vmul.f32 v32, v10  }
.LBB2_7:
0x95: {  	p0 =	sne.s32 s25, $0x1;
	s25 =	sadd.s32 $0xFFFFFFFF, s25;
	v32 =	vmul.f32 v32, v27;
	s26 =	sadd.s32 $0x10, s26  }
0x96: {  	p1 =	slt.s32 s26, $0x70;
	v36 =	vadd.f32 v36, v28;
	v34 =	vadd.f32 v35, v34;
	s28 =	smov.u32 s26  }
0x97: {  	s28 =	simm.s32 @!p1 $0x70  }
0x98: {  	v30 =	vmul.f32 v30, v22;
	v35 =	vand.u32 $0x7FFFFFFF, v36  }
0x99: {  	vm0 =	vlt.f32 v35, $9.999999960e-13  }
0x9a: {  	v29 =	vmul.f32 v29, v22;
	v30 =	vsub.f32 v30, v33;
	v35 =	vsel vm0, $0x3F800000, v36  }
0x9b: {  	(erf) = vrcp.f32 v35  }
0x9c: {  	v29 =	vsub.f32 v31, v29;
	v31 =	vadd.f32 v30, v26;
	v33 =	vmul.f32 v30, v10  }
0x9d: {  	v30 =	vmul.f32 v30, v26  }
0x9e: {  	v31 =	vadd.f32 v31, v29;
	v35 =	vmul.f32 v29, v26;
	v29 =	vmul.f32 v29, v11;
	_ =	sdelay $0x1  }
0x9f: {  	vm0 =	vgt.f32 v35, $0.0e+00;
	v35 =	vand.u32 $0x7FFFFFFF, v31  }
0xa0: {  	v36 =	vmul.f32 v28, v11;
	vm1 =	vlt.f32 v35, $9.999999960e-13  }
0xa1: {  	v35 =	vsel vm1, $0x3F800000, v31  }
0xa2: {  	s29 =	sadd.s32 $0x280, s24;
	s24 =	smov.u32 s28;
	v34 =	vadd.f32 v34, v36;
	(erf) = vrcp.f32 v35  }
0xa3: {  	v27 =	vmul.f32 v28, v27;
	v28 =	vld.idx.msk [tilespmem:v19+s29+$0x0 ss:$0x1], $0xffff;
	v31 =	vpop (erf)  }
0xa4: {  	v31 =	vmul.f32 v31, v34  }
0xa5: {  	vm2 =	vgt.f32 v27, $0.0e+00;
	vm1 =	vgt.f32 v32, $0.0e+00  }
0xa6: {  	v26 =	vmul.f32 v26, v9;
	vm1 =	vmand vm1, vm2;
	vm2 =	vlt.f32 v31, $1.000000000e+01  }
0xa7: {  	vm1 =	vmand vm1, vm2  }
0xa8: {  	v26 =	vadd.f32 v33, v26;
	v27 =	vnsel vm1, $0x3C23D70A, v31  }
0xa9: {  	v27 =	vmax.f32 v28, v27  }
0xaa: {  	v26 =	vadd.f32 v26, v29;
	[tilespmem:v19+s29+$0x0 ss:$0x1] =	vst.idx.msk $0xffff, v27  }
0xab: {  	v27 =	vld.idx.msk [tilespmem:v18+s29+$0x0 ss:$0x1], $0xffff;
	v28 =	vpop (erf)  }
0xac: {  	v26 =	vmul.f32 v28, v26  }
0xad: {  	vm1 =	vgt.f32 v30, $0.0e+00  }
0xae: {  	vm0 =	vmand vm1, vm0;
	vm1 =	vlt.f32 v26, $1.000000000e+01  }
0xaf: {  	vm0 =	vmand vm0, vm1  }
0xb0: {  	v26 =	vnsel vm0, $0x3C23D70A, v26  }
0xb1: {  	v26 =	vmax.f32 v27, v26  }
0xb2: {  	[tilespmem:v18+s29+$0x0 ss:$0x1] =	vst.idx.msk $0xffff, v26  }
0xb3: {  	v26 =	vld [tilespmem:s24+$0x4280];
	_ =	sdelay $0x4  }
0xb4: {  	v30 =	vsub.f32 v16, v26  }
0xb5: {  	v31 =	vsub.f32 v12, v26;
	v29 =	vsub.f32 v14, v26  }
0xb6: {  	v26 =	vmul.f32 v30, v20;
	v34 =	vmul.f32 v30, v24  }
0xb7: {  	v27 =	vmul.f32 v29, v23;
	v28 =	vmul.f32 v31, v21  }
.Ltmp5:
0xb8: {  	v32 =	vmul.f32 v30, v21;
	v33 =	vmul.f32 v31, v23;
	(pc) =	sbr.rel @p0 .LBB2_7-.Ltmp5, $4  }
0xb9: {  	v35 =	vmul.f32 v29, v20;
	v36 =	vmul.f32 v29, v25  }
0xba: {  	v27 =	vsub.f32 v27, v32;
	v32 =	vsub.f32 v26, v33;
	v33 =	vmul.f32 v31, v25  }
0xbb: {  	v28 =	vsub.f32 v28, v35;
	v26 =	vsub.f32 v36, v34;
	v31 =	vmul.f32 v31, v24  }
0xbc: {  	v36 =	vadd.f32 v32, v27;
	v34 =	vmul.f32 v27, v9;
	v35 =	vmul.f32 v32, v10  }
.LBB2_8:
0xbd: {  	_ = 	snop  }
0xbe: {  	v20 =	vadd.f32 v36, v28  }
0xbf: {  	v21 =	vmul.f32 v30, v22  }
0xc0: {  	v23 =	vand.u32 $0x7FFFFFFF, v20  }
0xc1: {  	v52 =	vmul.f32 v29, v22;
	v21 =	vsub.f32 v21, v33;
	vm0 =	vlt.f32 v23, $9.999999960e-13  }
0xc2: {  	v20 =	vsel vm0, $0x3F800000, v20  }
0xc3: {  	v53 =	vsub.f32 v31, v52;
	v54 =	vadd.f32 v21, v26;
	(erf) = vrcp.f32 v20;
	_ =	sdelay $0x1  }
0xc4: {  	v22 =	vadd.f32 v54, v53;
	_ =	sdelay $0x1  }
0xc5: {  	v55 =	vand.u32 $0x7FFFFFFF, v22  }
0xc6: {  	vm10 =	vlt.f32 v55, $9.999999960e-13  }
0xc7: {  	v24 =	vmul.f32 v28, v11;
	v56 =	vadd.f32 v35, v34;
	v22 =	vsel vm10, $0x3F800000, v22  }
0xc8: {  	(erf) = vrcp.f32 v22  }
0xc9: {  	v57 =	vadd.f32 v56, v24  }
0xca: {  	v58 =	vmul.f32 v32, v27;
	s24 =	sadd.s32 $0x280, s24;
	v59 =	vmul.f32 v28, v27;
	v25 =	vpop (erf)  }
0xcb: {  	v62 =	vmul.f32 v26, v9;
	v61 =	vld.idx.msk [tilespmem:v19+s24+$0x0 ss:$0x1], $0xffff;
	v22 =	vmul.f32 v25, v57  }
0xcc: {  	vm11 =	vgt.f32 v58, $0.0e+00;
	vm1 =	vgt.f32 v59, $0.0e+00;
	v60 =	vmul.f32 v21, v10  }
0xcd: {  	vm0 =	vmand vm11, vm1;
	vm12 =	vlt.f32 v22, $1.000000000e+01  }
0xce: {  	v63 =	vmul.f32 v53, v11;
	v23 =	vadd.f32 v60, v62;
	vm0 =	vmand vm0, vm12  }
0xcf: {  	v22 =	vnsel vm0, $0x3C23D70A, v22  }
0xd0: {  	v23 =	vadd.f32 v23, v63;
	v22 =	vmax.f32 v61, v22  }
0xd1: {  	v21 =	vmul.f32 v21, v26;
	v20 =	vmul.f32 v53, v26;
	[tilespmem:v19+s24+$0x0 ss:$0x1] =	vst.idx.msk $0xffff, v22;
	v19 =	vpop (erf)  }
0xd2: {  	s23 =	sadd.s32 $0x1, s23;
	v22 =	vld.idx.msk [tilespmem:v18+s24+$0x0 ss:$0x1], $0xffff;
	v19 =	vmul.f32 v19, v23  }
0xd3: {  	p0 =	sne.s32 s23, s21;
	vm14 =	vgt.f32 v21, $0.0e+00;
	vm13 =	vgt.f32 v20, $0.0e+00  }
.Ltmp6:
0xd4: {  	vm0 =	vmand vm14, vm13;
	vm15 =	vlt.f32 v19, $1.000000000e+01;
	(pc) =	sbr.rel @p0 .LBB2_6-.Ltmp6, $4  }
.Ltmp7:
0xd5: {  	vm0 =	vmand vm0, vm15;
	(pc) =	sbr.rel @!p0 .LBB2_9-.Ltmp7, $4  }
0xd6: {  	v19 =	vnsel vm0, $0x3C23D70A, v19  }
0xd7: {  	v19 =	vmax.f32 v22, v19  }
0xd8: {  	[tilespmem:v18+s24+$0x0 ss:$0x1] =	vst.idx.msk $0xffff, v19  }
0xd9: {  	_ = 	snop  }
.LBB2_10:
0xda: {  	[spmem:s4] =	stream.strided.scatter [tilespmem:s11], [sflag:$0x1], $0x4000, s10, s9, $0x38;
	[tilespmem:$0xC700] =	vst v63  }
0xdb: {  	_ =	swait.ge [sflag:s8], $0x4000  }
0xdc: {  	[sflag:s8] =	ssyncset.done $0x0  }
0xdd: {  	[sflag:s8] =	ssyncadd.s32 $0xFFFFC000  }
0xde: {  	[bflag:$0x0] =	sbarrier.arrive $0xFFFF  }
0xdf: {  	[tilespmem:s14], [sflag:$0x1] =	stream.strided.gather [spmem:s5], $0x4000, s13, s12, $0x38;
	[tilespmem:$0xC700] =	vst v63  }
0xe0: {  	s18 =	simm.s32 $0x0;
	_ =	swait.ge [sflag:s8], $0x4000  }
0xe1: {  	s19 =	sand.u32 $0x70, s18;
	s18 =	sand.u32 $0x1C00, s18;
	[sflag:s8] =	ssyncset.done $0x0  }
0xe2: {  	s18 =	sor.u32 s19, s18;
	[sflag:s8] =	ssyncadd.s32 $0xFFFFC000  }
0xe3: {  	v9 =	vld [tilespmem:s18+$0x4380]  }
0xe4: {  	v10 =	vld [tilespmem:s18+$0x4300]  }
0xe5: {  	v11 =	vld [tilespmem:s18+$0x4400]  }
0xe6: {  	v12 =	vld [tilespmem:s18+$0x4480]  }
0xe7: {  	v13 =	vld [tilespmem:s18+$0x4500]  }
0xe8: {  	v14 =	vld [tilespmem:s18+$0x4580]  }
0xe9: {  	v9 =	vmax.f32 v10, v9;
	v10 =	vld [tilespmem:s18+$0x4600]  }
0xea: {  	v9 =	vmax.f32 v9, v11;
	v11 =	vld [tilespmem:s18+$0x4680]  }
0xeb: {  	v58 =	vld [tilespmem:s18+$0x6300];
	v9 =	vmax.f32 v9, v12  }
0xec: {  	v59 =	vld [tilespmem:s18+$0x6380];
	v9 =	vmax.f32 v9, v13  }
0xed: {  	v60 =	vld [tilespmem:s18+$0x6400];
	v9 =	vmax.f32 v9, v14  }
0xee: {  	v9 =	vmax.f32 v9, v10;
	v10 =	vld [tilespmem:s18+$0x6480]  }
0xef: {  	v9 =	vmax.f32 v9, v11;
	v11 =	vld [tilespmem:s18+$0x6500]  }
0xf0: {  	v61 =	vld [tilespmem:s18+$0x6580];
	v9 =	vmax.f32 v9, v58  }
0xf1: {  	v62 =	vld [tilespmem:s18+$0x6600];
	v9 =	vmax.f32 v9, v59  }
0xf2: {  	v63 =	vld [tilespmem:s18+$0x6680];
	v9 =	vmax.f32 v9, v60  }
0xf3: {  	v9 =	vmax.f32 v9, v10  }
0xf4: {  	v9 =	vmax.f32 v9, v11  }
0xf5: {  	v9 =	vmax.f32 v9, v61  }
0xf6: {  	v9 =	vmax.f32 v9, v62  }
0xf7: {  	v9 =	vmax.f32 v9, v63  }
0xf8: {  	(erf) = vrcp.f32 v9;
	_ =	sdelay $0x7  }
0xf9: {  	s20 =	simm.s32 $0x10;
	s19 =	simm.s32 $0x80  }
0xfa: {  	s20 =	sand.u32 $0x70, s20;
	s21 =	sand.u32 $0x1C00, s19;
	s18 =	simm.s32 $0x8300;
	v9 =	vpop (erf)  }
0xfb: {  	s21 =	sor.u32 s20, s21;
	s20 =	simm.s32 $0x20;
	[tilespmem:s18+$0x0] =	vst v9  }
.LBB2_11:
0xfc: {  	p0 =	sne.s32 s20, $0x3F0;
	v9 =	vld [tilespmem:s21+$0x4380]  }
0xfd: {  	v10 =	vld [tilespmem:s21+$0x4300]  }
0xfe: {  	v11 =	vld [tilespmem:s21+$0x4400]  }
0xff: {  	v12 =	vld [tilespmem:s21+$0x4480]  }
0x100: {  	v13 =	vld [tilespmem:s21+$0x4500]  }
0x101: {  	v14 =	vld [tilespmem:s21+$0x4580]  }
0x102: {  	v9 =	vmax.f32 v10, v9;
	v10 =	vld [tilespmem:s21+$0x4600]  }
0x103: {  	v9 =	vmax.f32 v9, v11;
	v11 =	vld [tilespmem:s21+$0x4680]  }
0x104: {  	v9 =	vmax.f32 v9, v12;
	v12 =	vld [tilespmem:s21+$0x6300]  }
0x105: {  	v9 =	vmax.f32 v9, v13;
	v13 =	vld [tilespmem:s21+$0x6380]  }
0x106: {  	v9 =	vmax.f32 v9, v14;
	v14 =	vld [tilespmem:s21+$0x6400]  }
0x107: {  	v9 =	vmax.f32 v9, v10;
	v10 =	vld [tilespmem:s21+$0x6480]  }
0x108: {  	v9 =	vmax.f32 v9, v11;
	v11 =	vld [tilespmem:s21+$0x6500]  }
0x109: {  	v9 =	vmax.f32 v9, v12;
	v12 =	vld [tilespmem:s21+$0x6580]  }
0x10a: {  	v9 =	vmax.f32 v9, v13;
	v13 =	vld [tilespmem:s21+$0x6600]  }
0x10b: {  	v9 =	vmax.f32 v9, v14;
	v14 =	vld [tilespmem:s21+$0x6680]  }
0x10c: {  	v9 =	vmax.f32 v9, v10  }
0x10d: {  	v9 =	vmax.f32 v9, v11  }
0x10e: {  	v9 =	vmax.f32 v9, v12  }
0x10f: {  	v9 =	vmax.f32 v9, v13  }
0x110: {  	v9 =	vmax.f32 v9, v14  }
0x111: {  	(erf) = vrcp.f32 v9;
	_ =	sdelay $0x5  }
.Ltmp8:
0x112: {  	(pc) =	sbr.rel @p0 .LBB2_11-.Ltmp8, $4  }
0x113: {  	_ = 	snop  }
0x114: {  	s19 =	sadd.s32 $0x80, s19  }
0x115: {  	s18 =	sadd.s32 $0x10, s18;
	s22 =	sand.u32 $0x1C00, s19;
	s21 =	sand.u32 $0x70, s20;
	v9 =	vpop (erf)  }
0x116: {  	s20 =	sadd.s32 $0x10, s20;
	s21 =	sor.u32 s21, s22;
	[tilespmem:s18+$0x0] =	vst v9  }
0x117: {  	v9 =	vld [tilespmem:s21+$0x4380]  }
0x118: {  	v10 =	vld [tilespmem:s21+$0x4300]  }
0x119: {  	v11 =	vld [tilespmem:s21+$0x4400]  }
0x11a: {  	v12 =	vld [tilespmem:s21+$0x4480]  }
0x11b: {  	v13 =	vld [tilespmem:s21+$0x4500]  }
0x11c: {  	v14 =	vld [tilespmem:s21+$0x4580]  }
0x11d: {  	v9 =	vmax.f32 v10, v9;
	v10 =	vld [tilespmem:s21+$0x4600]  }
0x11e: {  	v9 =	vmax.f32 v9, v11;
	v11 =	vld [tilespmem:s21+$0x4680]  }
0x11f: {  	v58 =	vld [tilespmem:s21+$0x6300];
	v9 =	vmax.f32 v9, v12  }
0x120: {  	v59 =	vld [tilespmem:s21+$0x6380];
	v9 =	vmax.f32 v9, v13  }
0x121: {  	v60 =	vld [tilespmem:s21+$0x6400];
	v9 =	vmax.f32 v9, v14  }
0x122: {  	v9 =	vmax.f32 v9, v10;
	v10 =	vld [tilespmem:s21+$0x6480]  }
0x123: {  	v9 =	vmax.f32 v9, v11;
	v11 =	vld [tilespmem:s21+$0x6500]  }
0x124: {  	v61 =	vld [tilespmem:s21+$0x6580];
	v9 =	vmax.f32 v9, v58  }
0x125: {  	v62 =	vld [tilespmem:s21+$0x6600];
	v9 =	vmax.f32 v9, v59  }
0x126: {  	v63 =	vld [tilespmem:s21+$0x6680];
	v9 =	vmax.f32 v9, v60  }
0x127: {  	v9 =	vmax.f32 v9, v10  }
0x128: {  	v9 =	vmax.f32 v9, v11  }
0x129: {  	v9 =	vmax.f32 v9, v61  }
0x12a: {  	v9 =	vmax.f32 v9, v62  }
0x12b: {  	v9 =	vmax.f32 v9, v63  }
0x12c: {  	(erf) = vrcp.f32 v9;
	_ =	sdelay $0x7  }
0x12d: {  	s17 =	sadd.s32 $0x1, s17  }
0x12e: {  	s18 =	sadd.s32 $0x10, s18;
	p0 =	sne.s32 s17, s7;
	v9 =	vpop (erf)  }
.Ltmp9:
0x12f: {  	[tilespmem:s18+$0x0] =	vst v9;
	(pc) =	sbr.rel @p0 .LBB2_1-.Ltmp9, $4  }
0x130: {  	[hbm4b:s6+s9] =	stream.strided.scatter [tilespmem:s16], [sflag:$0x1], $0x400, s15, s9, $0x38;
	[tilespmem:$0xC700] =	vst v63  }
0x131: {  	_ =	swait.ge [sflag:s8], $0x400  }
0x132: {  	[sflag:s8] =	ssyncset.done $0x0  }
0x133: {  	[sflag:s8] =	ssyncadd.s32 $0xFFFFFC00  }
0x134: {  	_ =	sfence.sel $0x180000  }
0x135: {  	[bflag:$0x0] =	sbarrier.arrive $0xFFFF  }
0x136: {  	p0 =	sne.s32 s2, $0x0;
	_ =	strace $0x90000047  }
0x137: {  	s0 =	sadd.s32 @!p0 $0x100000, s0;
	[bflag:$0x2] =	sbarrier.arrive $0xFFFF  }
0x138: {  	[sflag:s0] =	ssyncadd.tile.s32 @!p0 $0x1;
	_ =	shalt  }
.Lfunc_end2:
_tile_overlayer_lowered:
.L_overlay_start_2:
0x139: {  	(tag) =	ssettag $0x2  }
0x13a: {  	s0 =	rddreg [dreg:$0x0];
	s2 =	stileid.u32  }
0x13b: {  	s1 =	rddreg [dreg:$0x1];
	p0 =	sne.s32 s2, $0x0  }
0x13c: {  	s3 =	rddreg [dreg:$0x2];
	[bflag:$0x3] =	sbarrier.arrive $0xFFFF;
	s2 =	simm.s32 @!p0 $0x1C01  }
0x13d: {  	[timem:s3], [sflag:s2] =	dma.local @!p0 [hbm:s0], s1  }
0x13e: {  	s0 =	simm.s32 @!p0 $0x1  }
0x13f: {  	_ =	swait.ge @!p0 [sflag:s0], s1  }
0x140: {  	s1 =	ssub.s32 @!p0 $0x0, s1;
	[sflag:s0] =	ssyncset.done @!p0 $0x0  }
0x141: {  	[sflag:s0] =	ssyncadd.s32 @!p0 s1  }
0x142: {  	[bflag:$0x3] =	sbarrier.arrive $0xFFFF  }
0x143: {  	_ =	shalt  }

</sc_bundles>
